<compile_context>
chip_gen: v7x
topology: tpu7x:2x2x1
jax: 0.10.2.dev20260603
libtpu: 0.0.44.dev20260713+nightly
codegen_flags: <defaults>
</compile_context>

<pallas_src>
import functools

import jax
import jax.numpy as jnp
import numpy as np
from jax import lax
from jax.experimental import pallas as pl
from jax.experimental.pallas import tpu as pltpu
from jax.experimental.pallas import tpu_sc as plsc

N = 10000
E = 320000
D = 128
GW = 144
NC = 2
NS = 16
NW = NC * NS
EPW = E // NW
CH = 40
SUB = 10
NCHUNK = EPW // CH
NSUPER = NCHUNK // SUB
RPT = N // NS

_PS = np.empty((D,), np.int64)
for _g in range(D // 32):
    for _k in range(16):
        _PS[_g * 32 + 2 * _k] = _g * 32 + _k
        _PS[_g * 32 + 2 * _k + 1] = _g * 32 + 16 + _k


def _ea_body(ea_ref, c_ref, b_ref, o_ref):
    o_ref[...] = (jnp.dot(ea_ref[...], c_ref[...],
                          preferred_element_type=jnp.float32)
                  + b_ref[...]).astype(jnp.bfloat16)


def _xab_body(x_ref, w_ref, o_ref):
    o_ref[...] = jnp.dot(x_ref[...], w_ref[...],
                         preferred_element_type=jnp.float32).astype(jnp.bfloat16)


def _node_body(g0_ref, g1_ref, x_ref, we2e_ref, wn1a_ref, wn1b_ref, bn1_ref,
               wn2_ref, bn2_ref, o_ref):
    g = g0_ref[...] + g1_ref[...]
    agg = jnp.dot(g, we2e_ref[...], preferred_element_type=jnp.float32)
    h2 = jnp.maximum(
        jnp.dot(x_ref[...], wn1a_ref[...], preferred_element_type=jnp.float32)
        + jnp.dot(agg, wn1b_ref[...], preferred_element_type=jnp.float32)
        + bn1_ref[...], 0.0)
    o_ref[...] = jnp.dot(h2, wn2_ref[...],
                         preferred_element_type=jnp.float32) + bn2_ref[...]


def _sc_body(row_hbm, col_hbm, ea_hbm, xa_hbm, xb_hbm, out_hbm,
             idxr, idxc, a0, a1, b0, b1, e0, e1, h0, h1, gsh,
             sem_g0, sem_g1, sem_e0, sem_e1, sem_s0, sem_s1):
    cid = lax.axis_index("c")
    sid = lax.axis_index("s")
    wid = sid * NC + cid

    abufs = (a0, a1)
    bbufs = (b0, b1)
    ebufs = (e0, e1)
    hbufs = (h0, h1)
    sgs = (sem_g0, sem_g1)
    ses = (sem_e0, sem_e1)
    sss = (sem_s0, sem_s1)

    zero16 = jnp.zeros((16,), jnp.float32)
    iota16 = lax.iota(jnp.int32, 16)
    unit16 = jnp.where(iota16 == 0, 1.0, 0.0).astype(jnp.float32)

    def _zfill(r, _):
        for jb in range(GW // 16):
            h0[r, pl.ds(jb * 16, 16)] = zero16
        return 0
    lax.fori_loop(0, CH, _zfill, 0)

    r0 = sid * RPT

    def _zcopy(k, _):
        pltpu.sync_copy(h0, gsh.at[pl.ds(r0 + k * CH, CH)])
        return 0
    lax.fori_loop(0, RPT // CH, _zcopy, 0)
    pltpu.sync_copy(h0.at[pl.ds(0, RPT % CH)],
                    gsh.at[pl.ds(r0 + (RPT // CH) * CH, RPT % CH)])

    def _initcnt(r, _):
        h0[r, pl.ds(D, 16)] = unit16
        h1[r, pl.ds(D, 16)] = unit16
        return 0
    lax.fori_loop(0, CH, _initcnt, 0)

    plsc.subcore_barrier()

    def _fire_g(k, j):
        pltpu.make_async_copy(xa_hbm.at[idxr.at[j]], abufs[k], sgs[k]).start()
        pltpu.make_async_copy(xb_hbm.at[idxc.at[j]], bbufs[k], sgs[k]).start()

    def _wait_g(k, j):
        pltpu.make_async_copy(xa_hbm.at[idxr.at[j]], abufs[k], sgs[k]).wait()
        pltpu.make_async_copy(xb_hbm.at[idxc.at[j]], bbufs[k], sgs[k]).wait()

    def _fire_e(k, c):
        pltpu.make_async_copy(
            ea_hbm.at[pl.ds((wid * NCHUNK + c) * CH, CH)], ebufs[k], ses[k]).start()

    def _wait_e(k, c):
        pltpu.make_async_copy(
            ea_hbm.at[pl.ds((wid * NCHUNK + c) * CH, CH)], ebufs[k], ses[k]).wait()

    _fire_e(0, 0)
    himask = jnp.int32(-65536)

    def _super(s, _):
        @pl.when(s > 0)
        def _():
            for k in range(2):
                pltpu.make_async_copy(
                    hbufs[k], gsh.at[idxc.at[SUB - 2 + k]], sss[k]).wait()

        srow = wid * NCHUNK + s * SUB
        pltpu.sync_copy(row_hbm.at[pl.ds(srow, SUB)], idxr)
        pltpu.sync_copy(col_hbm.at[pl.ds(srow, SUB)], idxc)
        _fire_g(0, 0)
        _fire_g(1, 1)

        def _pair(t, _):
            for k in range(2):
                j = 2 * t + k
                c = s * SUB + j
                ab, bb, eb, hb = abufs[k], bbufs[k], ebufs[k], hbufs[k]
                _wait_g(k, j)
                _wait_e(k, c)

                @pl.when(c + 1 < NCHUNK)
                def _():
                    _fire_e(1 - k, c + 1)

                @pl.when(t > 0)
                def _():
                    pltpu.make_async_copy(hb, gsh.at[idxc.at[j]], sss[k]).wait()

                def _row(r, _):
                    for g in range(D // 32):
                        wa = plsc.bitcast(ab[r, pl.ds(g * 32, 32)], jnp.int32)
                        wb = plsc.bitcast(bb[r, pl.ds(g * 32, 32)], jnp.int32)
                        we = plsc.bitcast(eb[r, pl.ds(g * 32, 32)], jnp.int32)
                        lo = (plsc.bitcast(wa << 16, jnp.float32)
                              + plsc.bitcast(wb << 16, jnp.float32)
                              + plsc.bitcast(we << 16, jnp.float32))
                        hi = (plsc.bitcast(wa & himask, jnp.float32)
                              + plsc.bitcast(wb & himask, jnp.float32)
                              + plsc.bitcast(we & himask, jnp.float32))
                        hb[r, pl.ds(g * 32, 16)] = jnp.maximum(lo, 0.0)
                        hb[r, pl.ds(g * 32 + 16, 16)] = jnp.maximum(hi, 0.0)
                    return 0
                lax.fori_loop(0, CH, _row, 0)

                pltpu.make_async_copy(hb, gsh.at[idxc.at[j]], sss[k]).start(add=True)

                @pl.when(j + 2 < SUB)
                def _():
                    _fire_g(k, j + 2)
            return 0
        lax.fori_loop(0, SUB // 2, _pair, 0)
        return 0
    lax.fori_loop(0, NSUPER, _super, 0)

    for k in range(2):
        pltpu.make_async_copy(hbufs[k], gsh.at[idxc.at[SUB - 2 + k]], sss[k]).wait()

    plsc.subcore_barrier()

    def _wb(kk, _):
        rr = r0 + kk * CH
        pltpu.sync_copy(gsh.at[pl.ds(rr, CH)], h0)
        pltpu.sync_copy(h0, out_hbm.at[cid].at[pl.ds(rr, CH)])
        return 0
    lax.fori_loop(0, RPT // CH, _wb, 0)
    rr = r0 + (RPT // CH) * CH
    pltpu.sync_copy(gsh.at[pl.ds(rr, RPT % CH)], h0.at[pl.ds(0, RPT % CH)])
    pltpu.sync_copy(h0.at[pl.ds(0, RPT % CH)], out_hbm.at[cid].at[pl.ds(rr, RPT % CH)])


def _make_sc_scatter():
  return functools.partial(
      pl.kernel,
      out_type=jax.ShapeDtypeStruct((NC, N, GW), jnp.float32),
      mesh=plsc.VectorSubcoreMesh(core_axis_name="c", subcore_axis_name="s",
                                num_cores=NC, num_subcores=NS),
      compiler_params=pltpu.CompilerParams(use_tc_tiling_on_sc=False, needs_layout_passes=False),
      scratch_types=[
        pltpu.VMEM((SUB, CH), jnp.int32),
        pltpu.VMEM((SUB, CH), jnp.int32),
        pltpu.VMEM((CH, D), jnp.bfloat16),
        pltpu.VMEM((CH, D), jnp.bfloat16),
        pltpu.VMEM((CH, D), jnp.bfloat16),
        pltpu.VMEM((CH, D), jnp.bfloat16),
        pltpu.VMEM((CH, D), jnp.bfloat16),
        pltpu.VMEM((CH, D), jnp.bfloat16),
        pltpu.VMEM((CH, GW), jnp.float32),
        pltpu.VMEM((CH, GW), jnp.float32),
        pltpu.VMEM_SHARED((N, GW), jnp.float32),
        pltpu.SemaphoreType.DMA,
        pltpu.SemaphoreType.DMA,
        pltpu.SemaphoreType.DMA,
        pltpu.SemaphoreType.DMA,
        pltpu.SemaphoreType.DMA,
        pltpu.SemaphoreType.DMA,
      ],
  )(_sc_body)


def kernel(x, edge_index, edge_attr, We1, be1, We2, be2, Wn1, bn1, Wn2, bn2):
    row = edge_index[0].astype(jnp.int32).reshape(E // CH, CH)
    col = edge_index[1].astype(jnp.int32).reshape(E // CH, CH)

    ps = jnp.asarray(_PS)
    wab = jnp.concatenate([We1[:D, :][:, ps], We1[D:2 * D, :][:, ps]], axis=1)
    wc = We1[2 * D:, :][:, ps]
    we2e = jnp.zeros((GW, D), jnp.float32).at[:D].set(We2).at[D].set(be2)
    wn1a = Wn1[:D, :]
    wn1b = Wn1[D:, :]

    eb = 2000
    nb = 2000

    xab = pl.pallas_call(
        _xab_body,
        grid=(N // nb,),
        in_specs=[pl.BlockSpec((nb, D), lambda i: (i, 0)),
                  pl.BlockSpec((D, 2 * D), lambda i: (0, 0))],
        out_specs=pl.BlockSpec((nb, 2 * D), lambda i: (i, 0)),
        out_shape=jax.ShapeDtypeStruct((N, 2 * D), jnp.bfloat16),
    )(x, wab)

    ea = pl.pallas_call(
        _ea_body,
        grid=(E // eb,),
        in_specs=[pl.BlockSpec((eb, D), lambda i: (i, 0)),
                  pl.BlockSpec((D, D), lambda i: (0, 0)),
                  pl.BlockSpec((1, D), lambda i: (0, 0))],
        out_specs=pl.BlockSpec((eb, D), lambda i: (i, 0)),
        out_shape=jax.ShapeDtypeStruct((E, D), jnp.bfloat16),
    )(edge_attr, wc, be1[ps].reshape(1, D))

    xa = xab[:, :D]
    xb = xab[:, D:]

    gp = _make_sc_scatter()(row, col, ea, xa, xb)

    new_x = pl.pallas_call(
        _node_body,
        grid=(N // nb,),
        in_specs=[pl.BlockSpec((nb, GW), lambda i: (i, 0)),
                  pl.BlockSpec((nb, GW), lambda i: (i, 0)),
                  pl.BlockSpec((nb, D), lambda i: (i, 0)),
                  pl.BlockSpec((GW, D), lambda i: (0, 0)),
                  pl.BlockSpec((D, D), lambda i: (0, 0)),
                  pl.BlockSpec((D, D), lambda i: (0, 0)),
                  pl.BlockSpec((1, D), lambda i: (0, 0)),
                  pl.BlockSpec((D, D), lambda i: (0, 0)),
                  pl.BlockSpec((1, D), lambda i: (0, 0))],
        out_specs=pl.BlockSpec((nb, D), lambda i: (i, 0)),
        out_shape=jax.ShapeDtypeStruct((N, D), jnp.float32),
    )(gp[0], gp[1], x, we2e, wn1a, wn1b, bn1.reshape(1, D),
      Wn2, bn2.reshape(1, D))

    return new_x

# --- scband reference (transcript-rebuilt; emitter-appended) ---
"""Pipeline reference for scband-gnnstep-16793322127743 (READ-ONLY COPY).

The authoritative reference and input builder live on the scoring server;
editing this copy changes nothing except your own understanding.
"""

import jax, jax.numpy as jnp
import numpy as np

N = 10000
E = 320000
D = 128

def setup_inputs(seed: int = 0) -> dict:
    key = jax.random.key(seed)
    ks = jax.random.split(key, 12)
    x = jax.random.normal(ks[0], (N, D), dtype=jnp.float32)
    edge_index = jax.random.randint(ks[1], (2, E), 0, N, dtype=jnp.int64)
    edge_attr = jax.random.normal(ks[2], (E, D), dtype=jnp.float32)
    s1 = 1.0 / np.sqrt(3 * D)
    s2 = 1.0 / np.sqrt(D)
    s3 = 1.0 / np.sqrt(2 * D)
    We1 = jax.random.uniform(ks[3], (3 * D, D), dtype=jnp.float32, minval=-s1, maxval=s1)
    be1 = jax.random.uniform(ks[4], (D,), dtype=jnp.float32, minval=-s1, maxval=s1)
    We2 = jax.random.uniform(ks[5], (D, D), dtype=jnp.float32, minval=-s2, maxval=s2)
    be2 = jax.random.uniform(ks[6], (D,), dtype=jnp.float32, minval=-s2, maxval=s2)
    Wn1 = jax.random.uniform(ks[7], (2 * D, D), dtype=jnp.float32, minval=-s3, maxval=s3)
    bn1 = jax.random.uniform(ks[8], (D,), dtype=jnp.float32, minval=-s3, maxval=s3)
    Wn2 = jax.random.uniform(ks[9], (D, D), dtype=jnp.float32, minval=-s2, maxval=s2)
    bn2 = jax.random.uniform(ks[10], (D,), dtype=jnp.float32, minval=-s2, maxval=s2)
    return {"x": x, "edge_index": edge_index, "edge_attr": edge_attr,
            "We1": We1, "be1": be1, "We2": We2, "be2": be2,
            "Wn1": Wn1, "bn1": bn1, "Wn2": Wn2, "bn2": bn2}

def reference(x, edge_index, edge_attr, We1, be1, We2, be2, Wn1, bn1, Wn2, bn2):
    row = edge_index[0]
    col = edge_index[1]
    edge_inputs = jnp.concatenate([x[row], x[col], edge_attr], axis=-1)
    h = jnp.maximum(edge_inputs @ We1 + be1, 0.0)
    messages = h @ We2 + be2
    aggregated = jax.ops.segment_sum(messages, col, num_segments=x.shape[0])
    node_inputs = jnp.concatenate([x, aggregated], axis=-1)
    h2 = jnp.maximum(node_inputs @ Wn1 + bn1, 0.0)
    new_x = h2 @ Wn2 + bn2
    return new_x

if __name__ == "__main__":
    import jax
    _d = setup_inputs()
    print(jax.jit(kernel)(*tuple(_d.values())))

</pallas_src>

<mosaic_0001>
#map = affine_map<(d0, d1) -> (0, 0)>
#map1 = affine_map<(d0, d1) -> (0, 0, 0)>
module attributes {stable_mosaic.version = 14 : i64} {
  func.func @_sc_body(%arg0: i32, %arg1: i32, %arg2: memref<8000x40xi32, #tpu.memory_space<hbm>>, %arg3: memref<8000x40xi32, #tpu.memory_space<hbm>>, %arg4: memref<320000x128xbf16, #tpu.memory_space<hbm>>, %arg5: memref<10000x128xbf16, #tpu.memory_space<hbm>>, %arg6: memref<10000x128xbf16, #tpu.memory_space<hbm>>, %arg7: memref<2x10000x144xf32, #tpu.memory_space<hbm>>, %arg8: memref<10x40xi32, #tpu.memory_space<vmem>>, %arg9: memref<10x40xi32, #tpu.memory_space<vmem>>, %arg10: memref<40x128xbf16, #tpu.memory_space<vmem>>, %arg11: memref<40x128xbf16, #tpu.memory_space<vmem>>, %arg12: memref<40x128xbf16, #tpu.memory_space<vmem>>, %arg13: memref<40x128xbf16, #tpu.memory_space<vmem>>, %arg14: memref<40x128xbf16, #tpu.memory_space<vmem>>, %arg15: memref<40x128xbf16, #tpu.memory_space<vmem>>, %arg16: memref<40x144xf32, #tpu.memory_space<vmem>>, %arg17: memref<40x144xf32, #tpu.memory_space<vmem>>, %arg18: memref<10000x144xf32, #tpu.memory_space<vmem_shared>>, %arg19: memref<!tpu.dma_semaphore, #tpu.memory_space<semaphore_mem>>, %arg20: memref<!tpu.dma_semaphore, #tpu.memory_space<semaphore_mem>>, %arg21: memref<!tpu.dma_semaphore, #tpu.memory_space<semaphore_mem>>, %arg22: memref<!tpu.dma_semaphore, #tpu.memory_space<semaphore_mem>>, %arg23: memref<!tpu.dma_semaphore, #tpu.memory_space<semaphore_mem>>, %arg24: memref<!tpu.dma_semaphore, #tpu.memory_space<semaphore_mem>>) attributes {dimension_semantics = [#tpu.dimension_semantics<core_parallel>, #tpu.dimension_semantics<subcore_parallel>], iteration_bounds = array<i64: 2, 16>, scalar_prefetch = 0 : i64, scratch_operands = 17 : i64, tpu.core_type = #tpu.core_type<sc_vector_subcore>, window_params = [{transform_indices = #map}, {transform_indices = #map}, {transform_indices = #map}, {transform_indices = #map}, {transform_indices = #map}, {transform_indices = #map1}]} {
    %mul3A = arith.constant 2 : i32
    %mul3A_0 = arith.muli %arg1, %mul3A : i32
    %add3A = arith.addi %mul3A_0, %arg0 : i32
    %broadcast_in_dim3A = arith.constant 0.000000e+00 : f32
    %broadcast_in_dim3A_1 = vector.broadcast %broadcast_in_dim3A : f32 to vector<16xf32>
    %iota3A = tpu.iota {dimensions = array<i32: 0>} : vector<16xi32>
    %eq3A = arith.constant 0 : i32
    %eq3A_2 = vector.broadcast %eq3A : i32 to vector<16xi32>
    %eq3A_3 = arith.cmpi eq, %iota3A, %eq3A_2 : vector<16xi32>
    %jit3A = arith.constant 1.000000e+00 : f32
    %jit3A_4 = arith.constant 0.000000e+00 : f32
    %broadcast_in_dim3A_5 = vector.broadcast %jit3A : f32 to vector<16xf32>
    %broadcast_in_dim3A_6 = vector.broadcast %jit3A_4 : f32 to vector<16xf32>
    %select_n3A = arith.select %eq3A_3, %broadcast_in_dim3A_5, %broadcast_in_dim3A_6 : vector<16xi1>, vector<16xf32>
    %scan3A = arith.constant 0 : i32
    %scan3A_7 = arith.constant 0 : i32
    %scan3A_8 = arith.constant 40 : i32
    %scan3A_9 = arith.addi %scan3A_7, %scan3A_8 : i32
    %scan3A_10 = arith.constant 1 : i32
    %scan3A_11 = scf.for %scan3A_71 = %scan3A_7 to %scan3A_9 step %scan3A_10 iter_args(%scan3A_72 = %scan3A) -> (i32)  : i32 {
      %swap3A = arith.index_cast %scan3A_71 : i32 to index
      %swap3A_73 = arith.constant 0 : index
      %swap3A_74 = tpu.vector_load %arg16[%swap3A, %swap3A_73] {strides = array<i32>} : memref<40x144xf32, #tpu.memory_space<vmem>>, vector<16xf32>,
      tpu.vector_store %arg16[%swap3A, %swap3A_73], %broadcast_in_dim3A_1 {strides = array<i32>} : memref<40x144xf32, #tpu.memory_space<vmem>>, vector<16xf32>,
      %swap3A_75 = arith.index_cast %scan3A_71 : i32 to index
      %swap3A_76 = arith.constant 16 : index
      %swap3A_77 = tpu.vector_load %arg16[%swap3A_75, %swap3A_76] {strides = array<i32>} : memref<40x144xf32, #tpu.memory_space<vmem>>, vector<16xf32>,
      tpu.vector_store %arg16[%swap3A_75, %swap3A_76], %broadcast_in_dim3A_1 {strides = array<i32>} : memref<40x144xf32, #tpu.memory_space<vmem>>, vector<16xf32>,
      %swap3A_78 = arith.index_cast %scan3A_71 : i32 to index
      %swap3A_79 = arith.constant 32 : index
      %swap3A_80 = tpu.vector_load %arg16[%swap3A_78, %swap3A_79] {strides = array<i32>} : memref<40x144xf32, #tpu.memory_space<vmem>>, vector<16xf32>,
      tpu.vector_store %arg16[%swap3A_78, %swap3A_79], %broadcast_in_dim3A_1 {strides = array<i32>} : memref<40x144xf32, #tpu.memory_space<vmem>>, vector<16xf32>,
      %swap3A_81 = arith.index_cast %scan3A_71 : i32 to index
      %swap3A_82 = arith.constant 48 : index
      %swap3A_83 = tpu.vector_load %arg16[%swap3A_81, %swap3A_82] {strides = array<i32>} : memref<40x144xf32, #tpu.memory_space<vmem>>, vector<16xf32>,
      tpu.vector_store %arg16[%swap3A_81, %swap3A_82], %broadcast_in_dim3A_1 {strides = array<i32>} : memref<40x144xf32, #tpu.memory_space<vmem>>, vector<16xf32>,
      %swap3A_84 = arith.index_cast %scan3A_71 : i32 to index
      %swap3A_85 = arith.constant 64 : index
      %swap3A_86 = tpu.vector_load %arg16[%swap3A_84, %swap3A_85] {strides = array<i32>} : memref<40x144xf32, #tpu.memory_space<vmem>>, vector<16xf32>,
      tpu.vector_store %arg16[%swap3A_84, %swap3A_85], %broadcast_in_dim3A_1 {strides = array<i32>} : memref<40x144xf32, #tpu.memory_space<vmem>>, vector<16xf32>,
      %swap3A_87 = arith.index_cast %scan3A_71 : i32 to index
      %swap3A_88 = arith.constant 80 : index
      %swap3A_89 = tpu.vector_load %arg16[%swap3A_87, %swap3A_88] {strides = array<i32>} : memref<40x144xf32, #tpu.memory_space<vmem>>, vector<16xf32>,
      tpu.vector_store %arg16[%swap3A_87, %swap3A_88], %broadcast_in_dim3A_1 {strides = array<i32>} : memref<40x144xf32, #tpu.memory_space<vmem>>, vector<16xf32>,
      %swap3A_90 = arith.index_cast %scan3A_71 : i32 to index
      %swap3A_91 = arith.constant 96 : index
      %swap3A_92 = tpu.vector_load %arg16[%swap3A_90, %swap3A_91] {strides = array<i32>} : memref<40x144xf32, #tpu.memory_space<vmem>>, vector<16xf32>,
      tpu.vector_store %arg16[%swap3A_90, %swap3A_91], %broadcast_in_dim3A_1 {strides = array<i32>} : memref<40x144xf32, #tpu.memory_space<vmem>>, vector<16xf32>,
      %swap3A_93 = arith.index_cast %scan3A_71 : i32 to index
      %swap3A_94 = arith.constant 112 : index
      %swap3A_95 = tpu.vector_load %arg16[%swap3A_93, %swap3A_94] {strides = array<i32>} : memref<40x144xf32, #tpu.memory_space<vmem>>, vector<16xf32>,
      tpu.vector_store %arg16[%swap3A_93, %swap3A_94], %broadcast_in_dim3A_1 {strides = array<i32>} : memref<40x144xf32, #tpu.memory_space<vmem>>, vector<16xf32>,
      %swap3A_96 = arith.index_cast %scan3A_71 : i32 to index
      %swap3A_97 = arith.constant 128 : index
      %swap3A_98 = tpu.vector_load %arg16[%swap3A_96, %swap3A_97] {strides = array<i32>} : memref<40x144xf32, #tpu.memory_space<vmem>>, vector<16xf32>,
      tpu.vector_store %arg16[%swap3A_96, %swap3A_97], %broadcast_in_dim3A_1 {strides = array<i32>} : memref<40x144xf32, #tpu.memory_space<vmem>>, vector<16xf32>,
      %scan3A_99 = arith.constant 0 : i32
      scf.yield %scan3A_99 : i32
    }
    %scan3A_12 = arith.constant 40 : i32
    %mul3A_13 = arith.constant 625 : i32
    %mul3A_14 = arith.muli %arg1, %mul3A_13 : i32
    %scan3A_15 = arith.constant 0 : i32
    %scan3A_16 = arith.constant 0 : i32
    %scan3A_17 = arith.constant 15 : i32
    %scan3A_18 = arith.addi %scan3A_16, %scan3A_17 : i32
    %scan3A_19 = arith.constant 1 : i32
    %scan3A_20 = scf.for %scan3A_71 = %scan3A_16 to %scan3A_18 step %scan3A_19 iter_args(%scan3A_72 = %scan3A_15) -> (i32)  : i32 {
      %mul3A_73 = arith.constant 40 : i32
      %mul3A_74 = arith.muli %scan3A_71, %mul3A_73 : i32
      %add3A_75 = arith.addi %mul3A_14, %mul3A_74 : i32
      "tpu.region"() ({
        %run_scoped3A = tpu.sem_alloc : memref<!tpu.dma_semaphore, #tpu.memory_space<semaphore_mem>>
        %dma_start3A_77 = arith.constant 0 : i32
        %dma_start3A_78 = tpu.memref_slice %arg18[%add3A_75, %dma_start3A_77] : memref<10000x144xf32, #tpu.memory_space<vmem_shared>> -> memref<40x144xf32, #tpu.memory_space<vmem_shared>>
        %dma_start3A_79 = arith.constant 0 : i32
        %dma_start3A_80 = tpu.memref_slice %arg18[%add3A_75, %dma_start3A_79] : memref<10000x144xf32, #tpu.memory_space<vmem_shared>> -> memref<40x144xf32, #tpu.memory_space<vmem_shared>>
        tpu.enqueue_dma source(%arg16 : memref<40x144xf32, #tpu.memory_space<vmem>>) target(%dma_start3A_80 : memref<40x144xf32, #tpu.memory_space<vmem_shared>>) target_semaphore(%run_scoped3A : memref<!tpu.dma_semaphore, #tpu.memory_space<semaphore_mem>>)
        %dma_wait3A_81 = arith.constant 0 : i32
        %dma_wait3A_82 = tpu.memref_slice %arg18[%add3A_75, %dma_wait3A_81] : memref<10000x144xf32, #tpu.memory_space<vmem_shared>> -> memref<40x144xf32, #tpu.memory_space<vmem_shared>>
        %dma_wait3A_83 = arith.constant 0 : i32
        %dma_wait3A_84 = tpu.memref_slice %arg18[%add3A_75, %dma_wait3A_83] : memref<10000x144xf32, #tpu.memory_space<vmem_shared>> -> memref<40x144xf32, #tpu.memory_space<vmem_shared>>
        tpu.wait_dma2 semaphore(%run_scoped3A : memref<!tpu.dma_semaphore, #tpu.memory_space<semaphore_mem>>) src(%arg16 : memref<40x144xf32, #tpu.memory_space<vmem>>) dst(%dma_wait3A_84 : memref<40x144xf32, #tpu.memory_space<vmem_shared>>)
        tpu.yield
      }) : () -> ()
      %scan3A_76 = arith.constant 0 : i32
      scf.yield %scan3A_76 : i32
    }
    %scan3A_21 = arith.constant 15 : i32
    %add3A_22 = arith.constant 600 : i32
    %add3A_23 = arith.addi %mul3A_14, %add3A_22 : i32
    "tpu.region"() ({
      %run_scoped3A = tpu.sem_alloc : memref<!tpu.dma_semaphore, #tpu.memory_space<semaphore_mem>>
      %dma_start3A_71 = arith.constant 0 : i32
      %dma_start3A_72 = arith.constant 0 : i32
      %dma_start3A_73 = tpu.memref_slice %arg16[%dma_start3A_71, %dma_start3A_72] : memref<40x144xf32, #tpu.memory_space<vmem>> -> memref<25x144xf32, #tpu.memory_space<vmem>>
      %dma_start3A_74 = arith.constant 0 : i32
      %dma_start3A_75 = tpu.memref_slice %arg18[%add3A_23, %dma_start3A_74] : memref<10000x144xf32, #tpu.memory_space<vmem_shared>> -> memref<25x144xf32, #tpu.memory_space<vmem_shared>>
      %dma_start3A_76 = arith.constant 0 : i32
      %dma_start3A_77 = tpu.memref_slice %arg18[%add3A_23, %dma_start3A_76] : memref<10000x144xf32, #tpu.memory_space<vmem_shared>> -> memref<25x144xf32, #tpu.memory_space<vmem_shared>>
      %dma_start3A_78 = arith.constant 0 : i32
      %dma_start3A_79 = arith.constant 0 : i32
      %dma_start3A_80 = tpu.memref_slice %arg16[%dma_start3A_78, %dma_start3A_79] : memref<40x144xf32, #tpu.memory_space<vmem>> -> memref<25x144xf32, #tpu.memory_space<vmem>>
      tpu.enqueue_dma source(%dma_start3A_80 : memref<25x144xf32, #tpu.memory_space<vmem>>) target(%dma_start3A_77 : memref<25x144xf32, #tpu.memory_space<vmem_shared>>) target_semaphore(%run_scoped3A : memref<!tpu.dma_semaphore, #tpu.memory_space<semaphore_mem>>)
      %dma_wait3A_81 = arith.constant 0 : i32
      %dma_wait3A_82 = arith.constant 0 : i32
      %dma_wait3A_83 = tpu.memref_slice %arg16[%dma_wait3A_81, %dma_wait3A_82] : memref<40x144xf32, #tpu.memory_space<vmem>> -> memref<25x144xf32, #tpu.memory_space<vmem>>
      %dma_wait3A_84 = arith.constant 0 : i32
      %dma_wait3A_85 = tpu.memref_slice %arg18[%add3A_23, %dma_wait3A_84] : memref<10000x144xf32, #tpu.memory_space<vmem_shared>> -> memref<25x144xf32, #tpu.memory_space<vmem_shared>>
      %dma_wait3A_86 = arith.constant 0 : i32
      %dma_wait3A_87 = tpu.memref_slice %arg18[%add3A_23, %dma_wait3A_86] : memref<10000x144xf32, #tpu.memory_space<vmem_shared>> -> memref<25x144xf32, #tpu.memory_space<vmem_shared>>
      %dma_wait3A_88 = arith.constant 0 : i32
      %dma_wait3A_89 = arith.constant 0 : i32
      %dma_wait3A_90 = tpu.memref_slice %arg16[%dma_wait3A_88, %dma_wait3A_89] : memref<40x144xf32, #tpu.memory_space<vmem>> -> memref<25x144xf32, #tpu.memory_space<vmem>>
      tpu.wait_dma2 semaphore(%run_scoped3A : memref<!tpu.dma_semaphore, #tpu.memory_space<semaphore_mem>>) src(%dma_wait3A_90 : memref<25x144xf32, #tpu.memory_space<vmem>>) dst(%dma_wait3A_87 : memref<25x144xf32, #tpu.memory_space<vmem_shared>>)
      tpu.yield
    }) : () -> ()
    %scan3A_24 = arith.constant 0 : i32
    %scan3A_25 = arith.constant 0 : i32
    %scan3A_26 = arith.constant 40 : i32
    %scan3A_27 = arith.addi %scan3A_25, %scan3A_26 : i32
    %scan3A_28 = arith.constant 1 : i32
    %scan3A_29 = scf.for %scan3A_71 = %scan3A_25 to %scan3A_27 step %scan3A_28 iter_args(%scan3A_72 = %scan3A_24) -> (i32)  : i32 {
      %swap3A = arith.index_cast %scan3A_71 : i32 to index
      %swap3A_73 = arith.constant 128 : index
      %swap3A_74 = tpu.vector_load %arg16[%swap3A, %swap3A_73] {strides = array<i32>} : memref<40x144xf32, #tpu.memory_space<vmem>>, vector<16xf32>,
      tpu.vector_store %arg16[%swap3A, %swap3A_73], %select_n3A {strides = array<i32>} : memref<40x144xf32, #tpu.memory_space<vmem>>, vector<16xf32>,
      %swap3A_75 = arith.index_cast %scan3A_71 : i32 to index
      %swap3A_76 = arith.constant 128 : index
      %swap3A_77 = tpu.vector_load %arg17[%swap3A_75, %swap3A_76] {strides = array<i32>} : memref<40x144xf32, #tpu.memory_space<vmem>>, vector<16xf32>,
      tpu.vector_store %arg17[%swap3A_75, %swap3A_76], %select_n3A {strides = array<i32>} : memref<40x144xf32, #tpu.memory_space<vmem>>, vector<16xf32>,
      %scan3A_78 = arith.constant 0 : i32
      scf.yield %scan3A_78 : i32
    }
    %scan3A_30 = arith.constant 40 : i32
    %barrier3A = arith.constant 0 : index
    tpu.barrier barrier_id(%barrier3A)
    %mul3A_31 = arith.constant 250 : i32
    %mul3A_32 = arith.muli %add3A, %mul3A_31 : i32
    %add3A_33 = arith.constant 0 : i32
    %add3A_34 = arith.addi %mul3A_32, %add3A_33 : i32
    %mul3A_35 = arith.constant 40 : i32
    %mul3A_36 = arith.muli %add3A_34, %mul3A_35 : i32
    %dma_start3A = arith.constant 0 : i32
    %dma_start3A_37 = tpu.memref_slice %arg4[%mul3A_36, %dma_start3A] : memref<320000x128xbf16, #tpu.memory_space<hbm>> -> memref<40x128xbf16, #tpu.memory_space<hbm>>
    %dma_start3A_38 = arith.constant 0 : i32
    %dma_start3A_39 = tpu.memref_slice %arg4[%mul3A_36, %dma_start3A_38] : memref<320000x128xbf16, #tpu.memory_space<hbm>> -> memref<40x128xbf16, #tpu.memory_space<hbm>>
    tpu.enqueue_dma source(%dma_start3A_39 : memref<40x128xbf16, #tpu.memory_space<hbm>>) target(%arg14 : memref<40x128xbf16, #tpu.memory_space<vmem>>) target_semaphore(%arg21 : memref<!tpu.dma_semaphore, #tpu.memory_space<semaphore_mem>>)
    %scan3A_40 = arith.constant -65536 : i32
    %scan3A_41 = arith.constant 0 : i32
    %scan3A_42 = arith.constant 0 : i32
    %scan3A_43 = arith.constant 25 : i32
    %scan3A_44 = arith.addi %scan3A_42, %scan3A_43 : i32
    %scan3A_45 = arith.constant 1 : i32
    %scan3A_46 = scf.for %scan3A_71 = %scan3A_42 to %scan3A_44 step %scan3A_45 iter_args(%scan3A_72 = %scan3A_41) -> (i32)  : i32 {
      %gt3A = arith.constant 0 : i32
      %gt3A_73 = arith.cmpi sgt, %scan3A_71, %gt3A : i32
      %convert_element_type3A = arith.extui %gt3A_73 : i1 to i32
      %cond3A = arith.constant 0 : i32
      %cond3A_74 = arith.cmpi ne, %convert_element_type3A, %cond3A : i32
      scf.if %cond3A_74 {
        %dma_wait3A_116 = arith.constant 8 : i32
        %dma_wait3A_117 = arith.constant 0 : i32
        %dma_wait3A_118 = tpu.memref_slice %arg9[%dma_wait3A_116, %dma_wait3A_117] : memref<10x40xi32, #tpu.memory_space<vmem>> -> memref<1x40xi32, #tpu.memory_space<vmem>>
        %dma_wait3A_119 = tpu.memref_squeeze %dma_wait3A_118 : memref<1x40xi32, #tpu.memory_space<vmem>> -> memref<40xi32, #tpu.memory_space<vmem>>
        %dma_wait3A_120 = arith.constant 0 : i32
        %dma_wait3A_121 = arith.constant 0 : i32
        %dma_wait3A_122 = tpu.memref_slice %arg18[%dma_wait3A_120, %dma_wait3A_121] : memref<10000x144xf32, #tpu.memory_space<vmem_shared>> -> memref<10000x144xf32, #tpu.memory_space<vmem_shared>>
        tpu.wait_indirect_dma semaphore(%arg23 : memref<!tpu.dma_semaphore, #tpu.memory_space<semaphore_mem>>) src(%arg16 : memref<40x144xf32, #tpu.memory_space<vmem>>) dst(%dma_wait3A_122 : memref<10000x144xf32, #tpu.memory_space<vmem_shared>>)
        %dma_wait3A_123 = arith.constant 9 : i32
        %dma_wait3A_124 = arith.constant 0 : i32
        %dma_wait3A_125 = tpu.memref_slice %arg9[%dma_wait3A_123, %dma_wait3A_124] : memref<10x40xi32, #tpu.memory_space<vmem>> -> memref<1x40xi32, #tpu.memory_space<vmem>>
        %dma_wait3A_126 = tpu.memref_squeeze %dma_wait3A_125 : memref<1x40xi32, #tpu.memory_space<vmem>> -> memref<40xi32, #tpu.memory_space<vmem>>
        %dma_wait3A_127 = arith.constant 0 : i32
        %dma_wait3A_128 = arith.constant 0 : i32
        %dma_wait3A_129 = tpu.memref_slice %arg18[%dma_wait3A_127, %dma_wait3A_128] : memref<10000x144xf32, #tpu.memory_space<vmem_shared>> -> memref<10000x144xf32, #tpu.memory_space<vmem_shared>>
        tpu.wait_indirect_dma semaphore(%arg24 : memref<!tpu.dma_semaphore, #tpu.memory_space<semaphore_mem>>) src(%arg17 : memref<40x144xf32, #tpu.memory_space<vmem>>) dst(%dma_wait3A_129 : memref<10000x144xf32, #tpu.memory_space<vmem_shared>>)
      } else {
      }
      %mul3A_75 = arith.constant 250 : i32
      %mul3A_76 = arith.muli %add3A, %mul3A_75 : i32
      %mul3A_77 = arith.constant 10 : i32
      %mul3A_78 = arith.muli %scan3A_71, %mul3A_77 : i32
      %add3A_79 = arith.addi %mul3A_76, %mul3A_78 : i32
      "tpu.region"() ({
        %run_scoped3A = tpu.sem_alloc : memref<!tpu.dma_semaphore, #tpu.memory_space<semaphore_mem>>
        %dma_start3A_116 = arith.constant 0 : i32
        %dma_start3A_117 = tpu.memref_slice %arg2[%add3A_79, %dma_start3A_116] : memref<8000x40xi32, #tpu.memory_space<hbm>> -> memref<10x40xi32, #tpu.memory_space<hbm>>
        %dma_start3A_118 = arith.constant 0 : i32
        %dma_start3A_119 = tpu.memref_slice %arg2[%add3A_79, %dma_start3A_118] : memref<8000x40xi32, #tpu.memory_space<hbm>> -> memref<10x40xi32, #tpu.memory_space<hbm>>
        tpu.enqueue_dma source(%dma_start3A_119 : memref<10x40xi32, #tpu.memory_space<hbm>>) target(%arg8 : memref<10x40xi32, #tpu.memory_space<vmem>>) target_semaphore(%run_scoped3A : memref<!tpu.dma_semaphore, #tpu.memory_space<semaphore_mem>>)
        %dma_wait3A_120 = arith.constant 0 : i32
        %dma_wait3A_121 = tpu.memref_slice %arg2[%add3A_79, %dma_wait3A_120] : memref<8000x40xi32, #tpu.memory_space<hbm>> -> memref<10x40xi32, #tpu.memory_space<hbm>>
        %dma_wait3A_122 = arith.constant 0 : i32
        %dma_wait3A_123 = tpu.memref_slice %arg2[%add3A_79, %dma_wait3A_122] : memref<8000x40xi32, #tpu.memory_space<hbm>> -> memref<10x40xi32, #tpu.memory_space<hbm>>
        tpu.wait_dma2 semaphore(%run_scoped3A : memref<!tpu.dma_semaphore, #tpu.memory_space<semaphore_mem>>) src(%dma_wait3A_123 : memref<10x40xi32, #tpu.memory_space<hbm>>) dst(%arg8 : memref<10x40xi32, #tpu.memory_space<vmem>>)
        tpu.yield
      }) : () -> ()
      "tpu.region"() ({
        %run_scoped3A = tpu.sem_alloc : memref<!tpu.dma_semaphore, #tpu.memory_space<semaphore_mem>>
        %dma_start3A_116 = arith.constant 0 : i32
        %dma_start3A_117 = tpu.memref_slice %arg3[%add3A_79, %dma_start3A_116] : memref<8000x40xi32, #tpu.memory_space<hbm>> -> memref<10x40xi32, #tpu.memory_space<hbm>>
        %dma_start3A_118 = arith.constant 0 : i32
        %dma_start3A_119 = tpu.memref_slice %arg3[%add3A_79, %dma_start3A_118] : memref<8000x40xi32, #tpu.memory_space<hbm>> -> memref<10x40xi32, #tpu.memory_space<hbm>>
        tpu.enqueue_dma source(%dma_start3A_119 : memref<10x40xi32, #tpu.memory_space<hbm>>) target(%arg9 : memref<10x40xi32, #tpu.memory_space<vmem>>) target_semaphore(%run_scoped3A : memref<!tpu.dma_semaphore, #tpu.memory_space<semaphore_mem>>)
        %dma_wait3A_120 = arith.constant 0 : i32
        %dma_wait3A_121 = tpu.memref_slice %arg3[%add3A_79, %dma_wait3A_120] : memref<8000x40xi32, #tpu.memory_space<hbm>> -> memref<10x40xi32, #tpu.memory_space<hbm>>
        %dma_wait3A_122 = arith.constant 0 : i32
        %dma_wait3A_123 = tpu.memref_slice %arg3[%add3A_79, %dma_wait3A_122] : memref<8000x40xi32, #tpu.memory_space<hbm>> -> memref<10x40xi32, #tpu.memory_space<hbm>>
        tpu.wait_dma2 semaphore(%run_scoped3A : memref<!tpu.dma_semaphore, #tpu.memory_space<semaphore_mem>>) src(%dma_wait3A_123 : memref<10x40xi32, #tpu.memory_space<hbm>>) dst(%arg9 : memref<10x40xi32, #tpu.memory_space<vmem>>)
        tpu.yield
      }) : () -> ()
      %dma_start3A_80 = arith.constant 0 : i32
      %dma_start3A_81 = arith.constant 0 : i32
      %dma_start3A_82 = tpu.memref_slice %arg8[%dma_start3A_80, %dma_start3A_81] : memref<10x40xi32, #tpu.memory_space<vmem>> -> memref<1x40xi32, #tpu.memory_space<vmem>>
      %dma_start3A_83 = tpu.memref_squeeze %dma_start3A_82 : memref<1x40xi32, #tpu.memory_space<vmem>> -> memref<40xi32, #tpu.memory_space<vmem>>
      %dma_start3A_84 = arith.constant 0 : i32
      %dma_start3A_85 = arith.constant 0 : i32
      %dma_start3A_86 = tpu.memref_slice %arg5[%dma_start3A_84, %dma_start3A_85] : memref<10000x128xbf16, #tpu.memory_space<hbm>> -> memref<10000x128xbf16, #tpu.memory_space<hbm>>
      tpu.enqueue_indirect_dma source(%dma_start3A_86 : memref<10000x128xbf16, #tpu.memory_space<hbm>>) target(%arg10 : memref<40x128xbf16, #tpu.memory_space<vmem>>) offsets(%dma_start3A_83 : memref<40xi32, #tpu.memory_space<vmem>>) semaphore(%arg19 : memref<!tpu.dma_semaphore, #tpu.memory_space<semaphore_mem>>)
      %dma_start3A_87 = arith.constant 0 : i32
      %dma_start3A_88 = arith.constant 0 : i32
      %dma_start3A_89 = tpu.memref_slice %arg9[%dma_start3A_87, %dma_start3A_88] : memref<10x40xi32, #tpu.memory_space<vmem>> -> memref<1x40xi32, #tpu.memory_space<vmem>>
      %dma_start3A_90 = tpu.memref_squeeze %dma_start3A_89 : memref<1x40xi32, #tpu.memory_space<vmem>> -> memref<40xi32, #tpu.memory_space<vmem>>
      %dma_start3A_91 = arith.constant 0 : i32
      %dma_start3A_92 = arith.constant 0 : i32
      %dma_start3A_93 = tpu.memref_slice %arg6[%dma_start3A_91, %dma_start3A_92] : memref<10000x128xbf16, #tpu.memory_space<hbm>> -> memref<10000x128xbf16, #tpu.memory_space<hbm>>
      tpu.enqueue_indirect_dma source(%dma_start3A_93 : memref<10000x128xbf16, #tpu.memory_space<hbm>>) target(%arg12 : memref<40x128xbf16, #tpu.memory_space<vmem>>) offsets(%dma_start3A_90 : memref<40xi32, #tpu.memory_space<vmem>>) semaphore(%arg19 : memref<!tpu.dma_semaphore, #tpu.memory_space<semaphore_mem>>)
      %dma_start3A_94 = arith.constant 1 : i32
      %dma_start3A_95 = arith.constant 0 : i32
      %dma_start3A_96 = tpu.memref_slice %arg8[%dma_start3A_94, %dma_start3A_95] : memref<10x40xi32, #tpu.memory_space<vmem>> -> memref<1x40xi32, #tpu.memory_space<vmem>>
      %dma_start3A_97 = tpu.memref_squeeze %dma_start3A_96 : memref<1x40xi32, #tpu.memory_space<vmem>> -> memref<40xi32, #tpu.memory_space<vmem>>
      %dma_start3A_98 = arith.constant 0 : i32
      %dma_start3A_99 = arith.constant 0 : i32
      %dma_start3A_100 = tpu.memref_slice %arg5[%dma_start3A_98, %dma_start3A_99] : memref<10000x128xbf16, #tpu.memory_space<hbm>> -> memref<10000x128xbf16, #tpu.memory_space<hbm>>
      tpu.enqueue_indirect_dma source(%dma_start3A_100 : memref<10000x128xbf16, #tpu.memory_space<hbm>>) target(%arg11 : memref<40x128xbf16, #tpu.memory_space<vmem>>) offsets(%dma_start3A_97 : memref<40xi32, #tpu.memory_space<vmem>>) semaphore(%arg20 : memref<!tpu.dma_semaphore, #tpu.memory_space<semaphore_mem>>)
      %dma_start3A_101 = arith.constant 1 : i32
      %dma_start3A_102 = arith.constant 0 : i32
      %dma_start3A_103 = tpu.memref_slice %arg9[%dma_start3A_101, %dma_start3A_102] : memref<10x40xi32, #tpu.memory_space<vmem>> -> memref<1x40xi32, #tpu.memory_space<vmem>>
      %dma_start3A_104 = tpu.memref_squeeze %dma_start3A_103 : memref<1x40xi32, #tpu.memory_space<vmem>> -> memref<40xi32, #tpu.memory_space<vmem>>
      %dma_start3A_105 = arith.constant 0 : i32
      %dma_start3A_106 = arith.constant 0 : i32
      %dma_start3A_107 = tpu.memref_slice %arg6[%dma_start3A_105, %dma_start3A_106] : memref<10000x128xbf16, #tpu.memory_space<hbm>> -> memref<10000x128xbf16, #tpu.memory_space<hbm>>
      tpu.enqueue_indirect_dma source(%dma_start3A_107 : memref<10000x128xbf16, #tpu.memory_space<hbm>>) target(%arg13 : memref<40x128xbf16, #tpu.memory_space<vmem>>) offsets(%dma_start3A_104 : memref<40xi32, #tpu.memory_space<vmem>>) semaphore(%arg20 : memref<!tpu.dma_semaphore, #tpu.memory_space<semaphore_mem>>)
      %scan3A_108 = arith.constant 0 : i32
      %scan3A_109 = arith.constant 0 : i32
      %scan3A_110 = arith.constant 5 : i32
      %scan3A_111 = arith.addi %scan3A_109, %scan3A_110 : i32
      %scan3A_112 = arith.constant 1 : i32
      %scan3A_113 = scf.for %scan3A_116 = %scan3A_109 to %scan3A_111 step %scan3A_112 iter_args(%scan3A_117 = %scan3A_108) -> (i32)  : i32 {
        %mul3A_118 = arith.constant 2 : i32
        %mul3A_119 = arith.muli %mul3A_118, %scan3A_116 : i32
        %add3A_120 = arith.constant 0 : i32
        %add3A_121 = arith.addi %mul3A_119, %add3A_120 : i32
        %mul3A_122 = arith.constant 10 : i32
        %mul3A_123 = arith.muli %scan3A_71, %mul3A_122 : i32
        %add3A_124 = arith.addi %mul3A_123, %add3A_121 : i32
        %dma_wait3A_125 = arith.constant 0 : i32
        %dma_wait3A_126 = tpu.memref_slice %arg8[%add3A_121, %dma_wait3A_125] : memref<10x40xi32, #tpu.memory_space<vmem>> -> memref<1x40xi32, #tpu.memory_space<vmem>>
        %dma_wait3A_127 = tpu.memref_squeeze %dma_wait3A_126 : memref<1x40xi32, #tpu.memory_space<vmem>> -> memref<40xi32, #tpu.memory_space<vmem>>
        %dma_wait3A_128 = arith.constant 0 : i32
        %dma_wait3A_129 = arith.constant 0 : i32
        %dma_wait3A_130 = tpu.memref_slice %arg5[%dma_wait3A_128, %dma_wait3A_129] : memref<10000x128xbf16, #tpu.memory_space<hbm>> -> memref<10000x128xbf16, #tpu.memory_space<hbm>>
        tpu.wait_indirect_dma semaphore(%arg19 : memref<!tpu.dma_semaphore, #tpu.memory_space<semaphore_mem>>) src(%dma_wait3A_130 : memref<10000x128xbf16, #tpu.memory_space<hbm>>) dst(%arg10 : memref<40x128xbf16, #tpu.memory_space<vmem>>)
        %dma_wait3A_131 = arith.constant 0 : i32
        %dma_wait3A_132 = tpu.memref_slice %arg9[%add3A_121, %dma_wait3A_131] : memref<10x40xi32, #tpu.memory_space<vmem>> -> memref<1x40xi32, #tpu.memory_space<vmem>>
        %dma_wait3A_133 = tpu.memref_squeeze %dma_wait3A_132 : memref<1x40xi32, #tpu.memory_space<vmem>> -> memref<40xi32, #tpu.memory_space<vmem>>
        %dma_wait3A_134 = arith.constant 0 : i32
        %dma_wait3A_135 = arith.constant 0 : i32
        %dma_wait3A_136 = tpu.memref_slice %arg6[%dma_wait3A_134, %dma_wait3A_135] : memref<10000x128xbf16, #tpu.memory_space<hbm>> -> memref<10000x128xbf16, #tpu.memory_space<hbm>>
        tpu.wait_indirect_dma semaphore(%arg19 : memref<!tpu.dma_semaphore, #tpu.memory_space<semaphore_mem>>) src(%dma_wait3A_136 : memref<10000x128xbf16, #tpu.memory_space<hbm>>) dst(%arg12 : memref<40x128xbf16, #tpu.memory_space<vmem>>)
        %mul3A_137 = arith.constant 250 : i32
        %mul3A_138 = arith.muli %add3A, %mul3A_137 : i32
        %add3A_139 = arith.addi %mul3A_138, %add3A_124 : i32
        %mul3A_140 = arith.constant 40 : i32
        %mul3A_141 = arith.muli %add3A_139, %mul3A_140 : i32
        %dma_wait3A_142 = arith.constant 0 : i32
        %dma_wait3A_143 = tpu.memref_slice %arg4[%mul3A_141, %dma_wait3A_142] : memref<320000x128xbf16, #tpu.memory_space<hbm>> -> memref<40x128xbf16, #tpu.memory_space<hbm>>
        %dma_wait3A_144 = arith.constant 0 : i32
        %dma_wait3A_145 = tpu.memref_slice %arg4[%mul3A_141, %dma_wait3A_144] : memref<320000x128xbf16, #tpu.memory_space<hbm>> -> memref<40x128xbf16, #tpu.memory_space<hbm>>
        tpu.wait_dma2 semaphore(%arg21 : memref<!tpu.dma_semaphore, #tpu.memory_space<semaphore_mem>>) src(%dma_wait3A_145 : memref<40x128xbf16, #tpu.memory_space<hbm>>) dst(%arg14 : memref<40x128xbf16, #tpu.memory_space<vmem>>)
        %add3A_146 = arith.constant 1 : i32
        %add3A_147 = arith.addi %add3A_124, %add3A_146 : i32
        %lt3A = arith.constant 250 : i32
        %lt3A_148 = arith.cmpi slt, %add3A_147, %lt3A : i32
        %convert_element_type3A_149 = arith.extui %lt3A_148 : i1 to i32
        %cond3A_150 = arith.constant 0 : i32
        %cond3A_151 = arith.cmpi ne, %convert_element_type3A_149, %cond3A_150 : i32
        scf.if %cond3A_151 {
          %add3A_238 = arith.constant 1 : i32
          %add3A_239 = arith.addi %add3A_124, %add3A_238 : i32
          %mul3A_240 = arith.constant 250 : i32
          %mul3A_241 = arith.muli %add3A, %mul3A_240 : i32
          %add3A_242 = arith.addi %mul3A_241, %add3A_239 : i32
          %mul3A_243 = arith.constant 40 : i32
          %mul3A_244 = arith.muli %add3A_242, %mul3A_243 : i32
          %dma_start3A_245 = arith.constant 0 : i32
          %dma_start3A_246 = tpu.memref_slice %arg4[%mul3A_244, %dma_start3A_245] : memref<320000x128xbf16, #tpu.memory_space<hbm>> -> memref<40x128xbf16, #tpu.memory_space<hbm>>
          %dma_start3A_247 = arith.constant 0 : i32
          %dma_start3A_248 = tpu.memref_slice %arg4[%mul3A_244, %dma_start3A_247] : memref<320000x128xbf16, #tpu.memory_space<hbm>> -> memref<40x128xbf16, #tpu.memory_space<hbm>>
          tpu.enqueue_dma source(%dma_start3A_248 : memref<40x128xbf16, #tpu.memory_space<hbm>>) target(%arg15 : memref<40x128xbf16, #tpu.memory_space<vmem>>) target_semaphore(%arg22 : memref<!tpu.dma_semaphore, #tpu.memory_space<semaphore_mem>>)
        } else {
        }
        %gt3A_152 = arith.constant 0 : i32
        %gt3A_153 = arith.cmpi sgt, %scan3A_116, %gt3A_152 : i32
        %convert_element_type3A_154 = arith.extui %gt3A_153 : i1 to i32
        %cond3A_155 = arith.constant 0 : i32
        %cond3A_156 = arith.cmpi ne, %convert_element_type3A_154, %cond3A_155 : i32
        scf.if %cond3A_156 {
          %dma_wait3A_238 = arith.constant 0 : i32
          %dma_wait3A_239 = tpu.memref_slice %arg9[%add3A_121, %dma_wait3A_238] : memref<10x40xi32, #tpu.memory_space<vmem>> -> memref<1x40xi32, #tpu.memory_space<vmem>>
          %dma_wait3A_240 = tpu.memref_squeeze %dma_wait3A_239 : memref<1x40xi32, #tpu.memory_space<vmem>> -> memref<40xi32, #tpu.memory_space<vmem>>
          %dma_wait3A_241 = arith.constant 0 : i32
          %dma_wait3A_242 = arith.constant 0 : i32
          %dma_wait3A_243 = tpu.memref_slice %arg18[%dma_wait3A_241, %dma_wait3A_242] : memref<10000x144xf32, #tpu.memory_space<vmem_shared>> -> memref<10000x144xf32, #tpu.memory_space<vmem_shared>>
          tpu.wait_indirect_dma semaphore(%arg23 : memref<!tpu.dma_semaphore, #tpu.memory_space<semaphore_mem>>) src(%arg16 : memref<40x144xf32, #tpu.memory_space<vmem>>) dst(%dma_wait3A_243 : memref<10000x144xf32, #tpu.memory_space<vmem_shared>>)
        } else {
        }
        %scan3A_157 = arith.constant 0 : i32
        %scan3A_158 = arith.constant 0 : i32
        %scan3A_159 = arith.constant 40 : i32
        %scan3A_160 = arith.addi %scan3A_158, %scan3A_159 : i32
        %scan3A_161 = arith.constant 1 : i32
        %scan3A_162 = scf.for %scan3A_238 = %scan3A_158 to %scan3A_160 step %scan3A_161 iter_args(%scan3A_239 = %scan3A_157) -> (i32)  : i32 {
          %get3A = arith.index_cast %scan3A_238 : i32 to index
          %get3A_240 = arith.constant 0 : index
          %get3A_241 = tpu.vector_load %arg10[%get3A, %get3A_240] {strides = array<i32>} : memref<40x128xbf16, #tpu.memory_space<vmem>>, vector<32xbf16>,
          %bitcast3A = vector.bitcast %get3A_241 : vector<32xbf16> to vector<16xi32>
          %get3A_242 = arith.index_cast %scan3A_238 : i32 to index
          %get3A_243 = arith.constant 0 : index
          %get3A_244 = tpu.vector_load %arg12[%get3A_242, %get3A_243] {strides = array<i32>} : memref<40x128xbf16, #tpu.memory_space<vmem>>, vector<32xbf16>,
          %bitcast3A_245 = vector.bitcast %get3A_244 : vector<32xbf16> to vector<16xi32>
          %get3A_246 = arith.index_cast %scan3A_238 : i32 to index
          %get3A_247 = arith.constant 0 : index
          %get3A_248 = tpu.vector_load %arg14[%get3A_246, %get3A_247] {strides = array<i32>} : memref<40x128xbf16, #tpu.memory_space<vmem>>, vector<32xbf16>,
          %bitcast3A_249 = vector.bitcast %get3A_248 : vector<32xbf16> to vector<16xi32>
          %shift_left3A = arith.constant 16 : i32
          %shift_left3A_250 = vector.broadcast %shift_left3A : i32 to vector<16xi32>
          %shift_left3A_251 = arith.shli %bitcast3A, %shift_left3A_250 : vector<16xi32>
          %bitcast3A_252 = vector.bitcast %shift_left3A_251 : vector<16xi32> to vector<16xf32>
          %shift_left3A_253 = arith.constant 16 : i32
          %shift_left3A_254 = vector.broadcast %shift_left3A_253 : i32 to vector<16xi32>
          %shift_left3A_255 = arith.shli %bitcast3A_245, %shift_left3A_254 : vector<16xi32>
          %bitcast3A_256 = vector.bitcast %shift_left3A_255 : vector<16xi32> to vector<16xf32>
          %add3A_257 = arith.addf %bitcast3A_252, %bitcast3A_256 : vector<16xf32>
          %shift_left3A_258 = arith.constant 16 : i32
          %shift_left3A_259 = vector.broadcast %shift_left3A_258 : i32 to vector<16xi32>
          %shift_left3A_260 = arith.shli %bitcast3A_249, %shift_left3A_259 : vector<16xi32>
          %bitcast3A_261 = vector.bitcast %shift_left3A_260 : vector<16xi32> to vector<16xf32>
          %add3A_262 = arith.addf %add3A_257, %bitcast3A_261 : vector<16xf32>
          %and3A = vector.broadcast %scan3A_40 : i32 to vector<16xi32>
          %and3A_263 = arith.andi %bitcast3A, %and3A : vector<16xi32>
          %bitcast3A_264 = vector.bitcast %and3A_263 : vector<16xi32> to vector<16xf32>
          %and3A_265 = vector.broadcast %scan3A_40 : i32 to vector<16xi32>
          %and3A_266 = arith.andi %bitcast3A_245, %and3A_265 : vector<16xi32>
          %bitcast3A_267 = vector.bitcast %and3A_266 : vector<16xi32> to vector<16xf32>
          %add3A_268 = arith.addf %bitcast3A_264, %bitcast3A_267 : vector<16xf32>
          %and3A_269 = vector.broadcast %scan3A_40 : i32 to vector<16xi32>
          %and3A_270 = arith.andi %bitcast3A_249, %and3A_269 : vector<16xi32>
          %bitcast3A_271 = vector.bitcast %and3A_270 : vector<16xi32> to vector<16xf32>
          %add3A_272 = arith.addf %add3A_268, %bitcast3A_271 : vector<16xf32>
          %max3A = arith.constant 0.000000e+00 : f32
          %max3A_273 = vector.broadcast %max3A : f32 to vector<16xf32>
          %max3A_274 = arith.maximumf %add3A_262, %max3A_273 : vector<16xf32>
          %swap3A = arith.index_cast %scan3A_238 : i32 to index
          %swap3A_275 = arith.constant 0 : index
          %swap3A_276 = tpu.vector_load %arg16[%swap3A, %swap3A_275] {strides = array<i32>} : memref<40x144xf32, #tpu.memory_space<vmem>>, vector<16xf32>,
          tpu.vector_store %arg16[%swap3A, %swap3A_275], %max3A_274 {strides = array<i32>} : memref<40x144xf32, #tpu.memory_space<vmem>>, vector<16xf32>,
          %max3A_277 = arith.constant 0.000000e+00 : f32
          %max3A_278 = vector.broadcast %max3A_277 : f32 to vector<16xf32>
          %max3A_279 = arith.maximumf %add3A_272, %max3A_278 : vector<16xf32>
          %swap3A_280 = arith.index_cast %scan3A_238 : i32 to index
          %swap3A_281 = arith.constant 16 : index
          %swap3A_282 = tpu.vector_load %arg16[%swap3A_280, %swap3A_281] {strides = array<i32>} : memref<40x144xf32, #tpu.memory_space<vmem>>, vector<16xf32>,
          tpu.vector_store %arg16[%swap3A_280, %swap3A_281], %max3A_279 {strides = array<i32>} : memref<40x144xf32, #tpu.memory_space<vmem>>, vector<16xf32>,
          %get3A_283 = arith.index_cast %scan3A_238 : i32 to index
          %get3A_284 = arith.constant 32 : index
          %get3A_285 = tpu.vector_load %arg10[%get3A_283, %get3A_284] {strides = array<i32>} : memref<40x128xbf16, #tpu.memory_space<vmem>>, vector<32xbf16>,
          %bitcast3A_286 = vector.bitcast %get3A_285 : vector<32xbf16> to vector<16xi32>
          %get3A_287 = arith.index_cast %scan3A_238 : i32 to index
          %get3A_288 = arith.constant 32 : index
          %get3A_289 = tpu.vector_load %arg12[%get3A_287, %get3A_288] {strides = array<i32>} : memref<40x128xbf16, #tpu.memory_space<vmem>>, vector<32xbf16>,
          %bitcast3A_290 = vector.bitcast %get3A_289 : vector<32xbf16> to vector<16xi32>
          %get3A_291 = arith.index_cast %scan3A_238 : i32 to index
          %get3A_292 = arith.constant 32 : index
          %get3A_293 = tpu.vector_load %arg14[%get3A_291, %get3A_292] {strides = array<i32>} : memref<40x128xbf16, #tpu.memory_space<vmem>>, vector<32xbf16>,
          %bitcast3A_294 = vector.bitcast %get3A_293 : vector<32xbf16> to vector<16xi32>
          %shift_left3A_295 = arith.constant 16 : i32
          %shift_left3A_296 = vector.broadcast %shift_left3A_295 : i32 to vector<16xi32>
          %shift_left3A_297 = arith.shli %bitcast3A_286, %shift_left3A_296 : vector<16xi32>
          %bitcast3A_298 = vector.bitcast %shift_left3A_297 : vector<16xi32> to vector<16xf32>
          %shift_left3A_299 = arith.constant 16 : i32
          %shift_left3A_300 = vector.broadcast %shift_left3A_299 : i32 to vector<16xi32>
          %shift_left3A_301 = arith.shli %bitcast3A_290, %shift_left3A_300 : vector<16xi32>
          %bitcast3A_302 = vector.bitcast %shift_left3A_301 : vector<16xi32> to vector<16xf32>
          %add3A_303 = arith.addf %bitcast3A_298, %bitcast3A_302 : vector<16xf32>
          %shift_left3A_304 = arith.constant 16 : i32
          %shift_left3A_305 = vector.broadcast %shift_left3A_304 : i32 to vector<16xi32>
          %shift_left3A_306 = arith.shli %bitcast3A_294, %shift_left3A_305 : vector<16xi32>
          %bitcast3A_307 = vector.bitcast %shift_left3A_306 : vector<16xi32> to vector<16xf32>
          %add3A_308 = arith.addf %add3A_303, %bitcast3A_307 : vector<16xf32>
          %and3A_309 = vector.broadcast %scan3A_40 : i32 to vector<16xi32>
          %and3A_310 = arith.andi %bitcast3A_286, %and3A_309 : vector<16xi32>
          %bitcast3A_311 = vector.bitcast %and3A_310 : vector<16xi32> to vector<16xf32>
          %and3A_312 = vector.broadcast %scan3A_40 : i32 to vector<16xi32>
          %and3A_313 = arith.andi %bitcast3A_290, %and3A_312 : vector<16xi32>
          %bitcast3A_314 = vector.bitcast %and3A_313 : vector<16xi32> to vector<16xf32>
          %add3A_315 = arith.addf %bitcast3A_311, %bitcast3A_314 : vector<16xf32>
          %and3A_316 = vector.broadcast %scan3A_40 : i32 to vector<16xi32>
          %and3A_317 = arith.andi %bitcast3A_294, %and3A_316 : vector<16xi32>
          %bitcast3A_318 = vector.bitcast %and3A_317 : vector<16xi32> to vector<16xf32>
          %add3A_319 = arith.addf %add3A_315, %bitcast3A_318 : vector<16xf32>
          %max3A_320 = arith.constant 0.000000e+00 : f32
          %max3A_321 = vector.broadcast %max3A_320 : f32 to vector<16xf32>
          %max3A_322 = arith.maximumf %add3A_308, %max3A_321 : vector<16xf32>
          %swap3A_323 = arith.index_cast %scan3A_238 : i32 to index
          %swap3A_324 = arith.constant 32 : index
          %swap3A_325 = tpu.vector_load %arg16[%swap3A_323, %swap3A_324] {strides = array<i32>} : memref<40x144xf32, #tpu.memory_space<vmem>>, vector<16xf32>,
          tpu.vector_store %arg16[%swap3A_323, %swap3A_324], %max3A_322 {strides = array<i32>} : memref<40x144xf32, #tpu.memory_space<vmem>>, vector<16xf32>,
          %max3A_326 = arith.constant 0.000000e+00 : f32
          %max3A_327 = vector.broadcast %max3A_326 : f32 to vector<16xf32>
          %max3A_328 = arith.maximumf %add3A_319, %max3A_327 : vector<16xf32>
          %swap3A_329 = arith.index_cast %scan3A_238 : i32 to index
          %swap3A_330 = arith.constant 48 : index
          %swap3A_331 = tpu.vector_load %arg16[%swap3A_329, %swap3A_330] {strides = array<i32>} : memref<40x144xf32, #tpu.memory_space<vmem>>, vector<16xf32>,
          tpu.vector_store %arg16[%swap3A_329, %swap3A_330], %max3A_328 {strides = array<i32>} : memref<40x144xf32, #tpu.memory_space<vmem>>, vector<16xf32>,
          %get3A_332 = arith.index_cast %scan3A_238 : i32 to index
          %get3A_333 = arith.constant 64 : index
          %get3A_334 = tpu.vector_load %arg10[%get3A_332, %get3A_333] {strides = array<i32>} : memref<40x128xbf16, #tpu.memory_space<vmem>>, vector<32xbf16>,
          %bitcast3A_335 = vector.bitcast %get3A_334 : vector<32xbf16> to vector<16xi32>
          %get3A_336 = arith.index_cast %scan3A_238 : i32 to index
          %get3A_337 = arith.constant 64 : index
          %get3A_338 = tpu.vector_load %arg12[%get3A_336, %get3A_337] {strides = array<i32>} : memref<40x128xbf16, #tpu.memory_space<vmem>>, vector<32xbf16>,
          %bitcast3A_339 = vector.bitcast %get3A_338 : vector<32xbf16> to vector<16xi32>
          %get3A_340 = arith.index_cast %scan3A_238 : i32 to index
          %get3A_341 = arith.constant 64 : index
          %get3A_342 = tpu.vector_load %arg14[%get3A_340, %get3A_341] {strides = array<i32>} : memref<40x128xbf16, #tpu.memory_space<vmem>>, vector<32xbf16>,
          %bitcast3A_343 = vector.bitcast %get3A_342 : vector<32xbf16> to vector<16xi32>
          %shift_left3A_344 = arith.constant 16 : i32
          %shift_left3A_345 = vector.broadcast %shift_left3A_344 : i32 to vector<16xi32>
          %shift_left3A_346 = arith.shli %bitcast3A_335, %shift_left3A_345 : vector<16xi32>
          %bitcast3A_347 = vector.bitcast %shift_left3A_346 : vector<16xi32> to vector<16xf32>
          %shift_left3A_348 = arith.constant 16 : i32
          %shift_left3A_349 = vector.broadcast %shift_left3A_348 : i32 to vector<16xi32>
          %shift_left3A_350 = arith.shli %bitcast3A_339, %shift_left3A_349 : vector<16xi32>
          %bitcast3A_351 = vector.bitcast %shift_left3A_350 : vector<16xi32> to vector<16xf32>
          %add3A_352 = arith.addf %bitcast3A_347, %bitcast3A_351 : vector<16xf32>
          %shift_left3A_353 = arith.constant 16 : i32
          %shift_left3A_354 = vector.broadcast %shift_left3A_353 : i32 to vector<16xi32>
          %shift_left3A_355 = arith.shli %bitcast3A_343, %shift_left3A_354 : vector<16xi32>
          %bitcast3A_356 = vector.bitcast %shift_left3A_355 : vector<16xi32> to vector<16xf32>
          %add3A_357 = arith.addf %add3A_352, %bitcast3A_356 : vector<16xf32>
          %and3A_358 = vector.broadcast %scan3A_40 : i32 to vector<16xi32>
          %and3A_359 = arith.andi %bitcast3A_335, %and3A_358 : vector<16xi32>
          %bitcast3A_360 = vector.bitcast %and3A_359 : vector<16xi32> to vector<16xf32>
          %and3A_361 = vector.broadcast %scan3A_40 : i32 to vector<16xi32>
          %and3A_362 = arith.andi %bitcast3A_339, %and3A_361 : vector<16xi32>
          %bitcast3A_363 = vector.bitcast %and3A_362 : vector<16xi32> to vector<16xf32>
          %add3A_364 = arith.addf %bitcast3A_360, %bitcast3A_363 : vector<16xf32>
          %and3A_365 = vector.broadcast %scan3A_40 : i32 to vector<16xi32>
          %and3A_366 = arith.andi %bitcast3A_343, %and3A_365 : vector<16xi32>
          %bitcast3A_367 = vector.bitcast %and3A_366 : vector<16xi32> to vector<16xf32>
          %add3A_368 = arith.addf %add3A_364, %bitcast3A_367 : vector<16xf32>
          %max3A_369 = arith.constant 0.000000e+00 : f32
          %max3A_370 = vector.broadcast %max3A_369 : f32 to vector<16xf32>
          %max3A_371 = arith.maximumf %add3A_357, %max3A_370 : vector<16xf32>
          %swap3A_372 = arith.index_cast %scan3A_238 : i32 to index
          %swap3A_373 = arith.constant 64 : index
          %swap3A_374 = tpu.vector_load %arg16[%swap3A_372, %swap3A_373] {strides = array<i32>} : memref<40x144xf32, #tpu.memory_space<vmem>>, vector<16xf32>,
          tpu.vector_store %arg16[%swap3A_372, %swap3A_373], %max3A_371 {strides = array<i32>} : memref<40x144xf32, #tpu.memory_space<vmem>>, vector<16xf32>,
          %max3A_375 = arith.constant 0.000000e+00 : f32
          %max3A_376 = vector.broadcast %max3A_375 : f32 to vector<16xf32>
          %max3A_377 = arith.maximumf %add3A_368, %max3A_376 : vector<16xf32>
          %swap3A_378 = arith.index_cast %scan3A_238 : i32 to index
          %swap3A_379 = arith.constant 80 : index
          %swap3A_380 = tpu.vector_load %arg16[%swap3A_378, %swap3A_379] {strides = array<i32>} : memref<40x144xf32, #tpu.memory_space<vmem>>, vector<16xf32>,
          tpu.vector_store %arg16[%swap3A_378, %swap3A_379], %max3A_377 {strides = array<i32>} : memref<40x144xf32, #tpu.memory_space<vmem>>, vector<16xf32>,
          %get3A_381 = arith.index_cast %scan3A_238 : i32 to index
          %get3A_382 = arith.constant 96 : index
          %get3A_383 = tpu.vector_load %arg10[%get3A_381, %get3A_382] {strides = array<i32>} : memref<40x128xbf16, #tpu.memory_space<vmem>>, vector<32xbf16>,
          %bitcast3A_384 = vector.bitcast %get3A_383 : vector<32xbf16> to vector<16xi32>
          %get3A_385 = arith.index_cast %scan3A_238 : i32 to index
          %get3A_386 = arith.constant 96 : index
          %get3A_387 = tpu.vector_load %arg12[%get3A_385, %get3A_386] {strides = array<i32>} : memref<40x128xbf16, #tpu.memory_space<vmem>>, vector<32xbf16>,
          %bitcast3A_388 = vector.bitcast %get3A_387 : vector<32xbf16> to vector<16xi32>
          %get3A_389 = arith.index_cast %scan3A_238 : i32 to index
          %get3A_390 = arith.constant 96 : index
          %get3A_391 = tpu.vector_load %arg14[%get3A_389, %get3A_390] {strides = array<i32>} : memref<40x128xbf16, #tpu.memory_space<vmem>>, vector<32xbf16>,
          %bitcast3A_392 = vector.bitcast %get3A_391 : vector<32xbf16> to vector<16xi32>
          %shift_left3A_393 = arith.constant 16 : i32
          %shift_left3A_394 = vector.broadcast %shift_left3A_393 : i32 to vector<16xi32>
          %shift_left3A_395 = arith.shli %bitcast3A_384, %shift_left3A_394 : vector<16xi32>
          %bitcast3A_396 = vector.bitcast %shift_left3A_395 : vector<16xi32> to vector<16xf32>
          %shift_left3A_397 = arith.constant 16 : i32
          %shift_left3A_398 = vector.broadcast %shift_left3A_397 : i32 to vector<16xi32>
          %shift_left3A_399 = arith.shli %bitcast3A_388, %shift_left3A_398 : vector<16xi32>
          %bitcast3A_400 = vector.bitcast %shift_left3A_399 : vector<16xi32> to vector<16xf32>
          %add3A_401 = arith.addf %bitcast3A_396, %bitcast3A_400 : vector<16xf32>
          %shift_left3A_402 = arith.constant 16 : i32
          %shift_left3A_403 = vector.broadcast %shift_left3A_402 : i32 to vector<16xi32>
          %shift_left3A_404 = arith.shli %bitcast3A_392, %shift_left3A_403 : vector<16xi32>
          %bitcast3A_405 = vector.bitcast %shift_left3A_404 : vector<16xi32> to vector<16xf32>
          %add3A_406 = arith.addf %add3A_401, %bitcast3A_405 : vector<16xf32>
          %and3A_407 = vector.broadcast %scan3A_40 : i32 to vector<16xi32>
          %and3A_408 = arith.andi %bitcast3A_384, %and3A_407 : vector<16xi32>
          %bitcast3A_409 = vector.bitcast %and3A_408 : vector<16xi32> to vector<16xf32>
          %and3A_410 = vector.broadcast %scan3A_40 : i32 to vector<16xi32>
          %and3A_411 = arith.andi %bitcast3A_388, %and3A_410 : vector<16xi32>
          %bitcast3A_412 = vector.bitcast %and3A_411 : vector<16xi32> to vector<16xf32>
          %add3A_413 = arith.addf %bitcast3A_409, %bitcast3A_412 : vector<16xf32>
          %and3A_414 = vector.broadcast %scan3A_40 : i32 to vector<16xi32>
          %and3A_415 = arith.andi %bitcast3A_392, %and3A_414 : vector<16xi32>
          %bitcast3A_416 = vector.bitcast %and3A_415 : vector<16xi32> to vector<16xf32>
          %add3A_417 = arith.addf %add3A_413, %bitcast3A_416 : vector<16xf32>
          %max3A_418 = arith.constant 0.000000e+00 : f32
          %max3A_419 = vector.broadcast %max3A_418 : f32 to vector<16xf32>
          %max3A_420 = arith.maximumf %add3A_406, %max3A_419 : vector<16xf32>
          %swap3A_421 = arith.index_cast %scan3A_238 : i32 to index
          %swap3A_422 = arith.constant 96 : index
          %swap3A_423 = tpu.vector_load %arg16[%swap3A_421, %swap3A_422] {strides = array<i32>} : memref<40x144xf32, #tpu.memory_space<vmem>>, vector<16xf32>,
          tpu.vector_store %arg16[%swap3A_421, %swap3A_422], %max3A_420 {strides = array<i32>} : memref<40x144xf32, #tpu.memory_space<vmem>>, vector<16xf32>,
          %max3A_424 = arith.constant 0.000000e+00 : f32
          %max3A_425 = vector.broadcast %max3A_424 : f32 to vector<16xf32>
          %max3A_426 = arith.maximumf %add3A_417, %max3A_425 : vector<16xf32>
          %swap3A_427 = arith.index_cast %scan3A_238 : i32 to index
          %swap3A_428 = arith.constant 112 : index
          %swap3A_429 = tpu.vector_load %arg16[%swap3A_427, %swap3A_428] {strides = array<i32>} : memref<40x144xf32, #tpu.memory_space<vmem>>, vector<16xf32>,
          tpu.vector_store %arg16[%swap3A_427, %swap3A_428], %max3A_426 {strides = array<i32>} : memref<40x144xf32, #tpu.memory_space<vmem>>, vector<16xf32>,
          %scan3A_430 = arith.constant 0 : i32
          scf.yield %scan3A_430 : i32
        }
        %scan3A_163 = arith.constant 40 : i32
        %dma_start3A_164 = arith.constant 0 : i32
        %dma_start3A_165 = tpu.memref_slice %arg9[%add3A_121, %dma_start3A_164] : memref<10x40xi32, #tpu.memory_space<vmem>> -> memref<1x40xi32, #tpu.memory_space<vmem>>
        %dma_start3A_166 = tpu.memref_squeeze %dma_start3A_165 : memref<1x40xi32, #tpu.memory_space<vmem>> -> memref<40xi32, #tpu.memory_space<vmem>>
        %dma_start3A_167 = arith.constant 0 : i32
        %dma_start3A_168 = arith.constant 0 : i32
        %dma_start3A_169 = tpu.memref_slice %arg18[%dma_start3A_167, %dma_start3A_168] : memref<10000x144xf32, #tpu.memory_space<vmem_shared>> -> memref<10000x144xf32, #tpu.memory_space<vmem_shared>>
        tpu.enqueue_indirect_dma source(%arg16 : memref<40x144xf32, #tpu.memory_space<vmem>>) target(%dma_start3A_169 : memref<10000x144xf32, #tpu.memory_space<vmem_shared>>) offsets(%dma_start3A_166 : memref<40xi32, #tpu.memory_space<vmem>>) semaphore(%arg23 : memref<!tpu.dma_semaphore, #tpu.memory_space<semaphore_mem>>) {add = true}
        %add3A_170 = arith.constant 2 : i32
        %add3A_171 = arith.addi %add3A_121, %add3A_170 : i32
        %lt3A_172 = arith.constant 10 : i32
        %lt3A_173 = arith.cmpi slt, %add3A_171, %lt3A_172 : i32
        %convert_element_type3A_174 = arith.extui %lt3A_173 : i1 to i32
        %cond3A_175 = arith.constant 0 : i32
        %cond3A_176 = arith.cmpi ne, %convert_element_type3A_174, %cond3A_175 : i32
        scf.if %cond3A_176 {
          %add3A_238 = arith.constant 2 : i32
          %add3A_239 = arith.addi %add3A_121, %add3A_238 : i32
          %dma_start3A_240 = arith.constant 0 : i32
          %dma_start3A_241 = tpu.memref_slice %arg8[%add3A_239, %dma_start3A_240] : memref<10x40xi32, #tpu.memory_space<vmem>> -> memref<1x40xi32, #tpu.memory_space<vmem>>
          %dma_start3A_242 = tpu.memref_squeeze %dma_start3A_241 : memref<1x40xi32, #tpu.memory_space<vmem>> -> memref<40xi32, #tpu.memory_space<vmem>>
          %dma_start3A_243 = arith.constant 0 : i32
          %dma_start3A_244 = arith.constant 0 : i32
          %dma_start3A_245 = tpu.memref_slice %arg5[%dma_start3A_243, %dma_start3A_244] : memref<10000x128xbf16, #tpu.memory_space<hbm>> -> memref<10000x128xbf16, #tpu.memory_space<hbm>>
          tpu.enqueue_indirect_dma source(%dma_start3A_245 : memref<10000x128xbf16, #tpu.memory_space<hbm>>) target(%arg10 : memref<40x128xbf16, #tpu.memory_space<vmem>>) offsets(%dma_start3A_242 : memref<40xi32, #tpu.memory_space<vmem>>) semaphore(%arg19 : memref<!tpu.dma_semaphore, #tpu.memory_space<semaphore_mem>>)
          %dma_start3A_246 = arith.constant 0 : i32
          %dma_start3A_247 = tpu.memref_slice %arg9[%add3A_239, %dma_start3A_246] : memref<10x40xi32, #tpu.memory_space<vmem>> -> memref<1x40xi32, #tpu.memory_space<vmem>>
          %dma_start3A_248 = tpu.memref_squeeze %dma_start3A_247 : memref<1x40xi32, #tpu.memory_space<vmem>> -> memref<40xi32, #tpu.memory_space<vmem>>
          %dma_start3A_249 = arith.constant 0 : i32
          %dma_start3A_250 = arith.constant 0 : i32
          %dma_start3A_251 = tpu.memref_slice %arg6[%dma_start3A_249, %dma_start3A_250] : memref<10000x128xbf16, #tpu.memory_space<hbm>> -> memref<10000x128xbf16, #tpu.memory_space<hbm>>
          tpu.enqueue_indirect_dma source(%dma_start3A_251 : memref<10000x128xbf16, #tpu.memory_space<hbm>>) target(%arg12 : memref<40x128xbf16, #tpu.memory_space<vmem>>) offsets(%dma_start3A_248 : memref<40xi32, #tpu.memory_space<vmem>>) semaphore(%arg19 : memref<!tpu.dma_semaphore, #tpu.memory_space<semaphore_mem>>)
        } else {
        }
        %mul3A_177 = arith.constant 2 : i32
        %mul3A_178 = arith.muli %mul3A_177, %scan3A_116 : i32
        %add3A_179 = arith.constant 1 : i32
        %add3A_180 = arith.addi %mul3A_178, %add3A_179 : i32
        %mul3A_181 = arith.constant 10 : i32
        %mul3A_182 = arith.muli %scan3A_71, %mul3A_181 : i32
        %add3A_183 = arith.addi %mul3A_182, %add3A_180 : i32
        %dma_wait3A_184 = arith.constant 0 : i32
        %dma_wait3A_185 = tpu.memref_slice %arg8[%add3A_180, %dma_wait3A_184] : memref<10x40xi32, #tpu.memory_space<vmem>> -> memref<1x40xi32, #tpu.memory_space<vmem>>
        %dma_wait3A_186 = tpu.memref_squeeze %dma_wait3A_185 : memref<1x40xi32, #tpu.memory_space<vmem>> -> memref<40xi32, #tpu.memory_space<vmem>>
        %dma_wait3A_187 = arith.constant 0 : i32
        %dma_wait3A_188 = arith.constant 0 : i32
        %dma_wait3A_189 = tpu.memref_slice %arg5[%dma_wait3A_187, %dma_wait3A_188] : memref<10000x128xbf16, #tpu.memory_space<hbm>> -> memref<10000x128xbf16, #tpu.memory_space<hbm>>
        tpu.wait_indirect_dma semaphore(%arg20 : memref<!tpu.dma_semaphore, #tpu.memory_space<semaphore_mem>>) src(%dma_wait3A_189 : memref<10000x128xbf16, #tpu.memory_space<hbm>>) dst(%arg11 : memref<40x128xbf16, #tpu.memory_space<vmem>>)
        %dma_wait3A_190 = arith.constant 0 : i32
        %dma_wait3A_191 = tpu.memref_slice %arg9[%add3A_180, %dma_wait3A_190] : memref<10x40xi32, #tpu.memory_space<vmem>> -> memref<1x40xi32, #tpu.memory_space<vmem>>
        %dma_wait3A_192 = tpu.memref_squeeze %dma_wait3A_191 : memref<1x40xi32, #tpu.memory_space<vmem>> -> memref<40xi32, #tpu.memory_space<vmem>>
        %dma_wait3A_193 = arith.constant 0 : i32
        %dma_wait3A_194 = arith.constant 0 : i32
        %dma_wait3A_195 = tpu.memref_slice %arg6[%dma_wait3A_193, %dma_wait3A_194] : memref<10000x128xbf16, #tpu.memory_space<hbm>> -> memref<10000x128xbf16, #tpu.memory_space<hbm>>
        tpu.wait_indirect_dma semaphore(%arg20 : memref<!tpu.dma_semaphore, #tpu.memory_space<semaphore_mem>>) src(%dma_wait3A_195 : memref<10000x128xbf16, #tpu.memory_space<hbm>>) dst(%arg13 : memref<40x128xbf16, #tpu.memory_space<vmem>>)
        %mul3A_196 = arith.constant 250 : i32
        %mul3A_197 = arith.muli %add3A, %mul3A_196 : i32
        %add3A_198 = arith.addi %mul3A_197, %add3A_183 : i32
        %mul3A_199 = arith.constant 40 : i32
        %mul3A_200 = arith.muli %add3A_198, %mul3A_199 : i32
        %dma_wait3A_201 = arith.constant 0 : i32
        %dma_wait3A_202 = tpu.memref_slice %arg4[%mul3A_200, %dma_wait3A_201] : memref<320000x128xbf16, #tpu.memory_space<hbm>> -> memref<40x128xbf16, #tpu.memory_space<hbm>>
        %dma_wait3A_203 = arith.constant 0 : i32
        %dma_wait3A_204 = tpu.memref_slice %arg4[%mul3A_200, %dma_wait3A_203] : memref<320000x128xbf16, #tpu.memory_space<hbm>> -> memref<40x128xbf16, #tpu.memory_space<hbm>>
        tpu.wait_dma2 semaphore(%arg22 : memref<!tpu.dma_semaphore, #tpu.memory_space<semaphore_mem>>) src(%dma_wait3A_204 : memref<40x128xbf16, #tpu.memory_space<hbm>>) dst(%arg15 : memref<40x128xbf16, #tpu.memory_space<vmem>>)
        %add3A_205 = arith.constant 1 : i32
        %add3A_206 = arith.addi %add3A_183, %add3A_205 : i32
        %lt3A_207 = arith.constant 250 : i32
        %lt3A_208 = arith.cmpi slt, %add3A_206, %lt3A_207 : i32
        %convert_element_type3A_209 = arith.extui %lt3A_208 : i1 to i32
        %cond3A_210 = arith.constant 0 : i32
        %cond3A_211 = arith.cmpi ne, %convert_element_type3A_209, %cond3A_210 : i32
        scf.if %cond3A_211 {
          %add3A_238 = arith.constant 1 : i32
          %add3A_239 = arith.addi %add3A_183, %add3A_238 : i32
          %mul3A_240 = arith.constant 250 : i32
          %mul3A_241 = arith.muli %add3A, %mul3A_240 : i32
          %add3A_242 = arith.addi %mul3A_241, %add3A_239 : i32
          %mul3A_243 = arith.constant 40 : i32
          %mul3A_244 = arith.muli %add3A_242, %mul3A_243 : i32
          %dma_start3A_245 = arith.constant 0 : i32
          %dma_start3A_246 = tpu.memref_slice %arg4[%mul3A_244, %dma_start3A_245] : memref<320000x128xbf16, #tpu.memory_space<hbm>> -> memref<40x128xbf16, #tpu.memory_space<hbm>>
          %dma_start3A_247 = arith.constant 0 : i32
          %dma_start3A_248 = tpu.memref_slice %arg4[%mul3A_244, %dma_start3A_247] : memref<320000x128xbf16, #tpu.memory_space<hbm>> -> memref<40x128xbf16, #tpu.memory_space<hbm>>
          tpu.enqueue_dma source(%dma_start3A_248 : memref<40x128xbf16, #tpu.memory_space<hbm>>) target(%arg14 : memref<40x128xbf16, #tpu.memory_space<vmem>>) target_semaphore(%arg21 : memref<!tpu.dma_semaphore, #tpu.memory_space<semaphore_mem>>)
        } else {
        }
        %gt3A_212 = arith.constant 0 : i32
        %gt3A_213 = arith.cmpi sgt, %scan3A_116, %gt3A_212 : i32
        %convert_element_type3A_214 = arith.extui %gt3A_213 : i1 to i32
        %cond3A_215 = arith.constant 0 : i32
        %cond3A_216 = arith.cmpi ne, %convert_element_type3A_214, %cond3A_215 : i32
        scf.if %cond3A_216 {
          %dma_wait3A_238 = arith.constant 0 : i32
          %dma_wait3A_239 = tpu.memref_slice %arg9[%add3A_180, %dma_wait3A_238] : memref<10x40xi32, #tpu.memory_space<vmem>> -> memref<1x40xi32, #tpu.memory_space<vmem>>
          %dma_wait3A_240 = tpu.memref_squeeze %dma_wait3A_239 : memref<1x40xi32, #tpu.memory_space<vmem>> -> memref<40xi32, #tpu.memory_space<vmem>>
          %dma_wait3A_241 = arith.constant 0 : i32
          %dma_wait3A_242 = arith.constant 0 : i32
          %dma_wait3A_243 = tpu.memref_slice %arg18[%dma_wait3A_241, %dma_wait3A_242] : memref<10000x144xf32, #tpu.memory_space<vmem_shared>> -> memref<10000x144xf32, #tpu.memory_space<vmem_shared>>
          tpu.wait_indirect_dma semaphore(%arg24 : memref<!tpu.dma_semaphore, #tpu.memory_space<semaphore_mem>>) src(%arg17 : memref<40x144xf32, #tpu.memory_space<vmem>>) dst(%dma_wait3A_243 : memref<10000x144xf32, #tpu.memory_space<vmem_shared>>)
        } else {
        }
        %scan3A_217 = arith.constant 0 : i32
        %scan3A_218 = arith.constant 0 : i32
        %scan3A_219 = arith.constant 40 : i32
        %scan3A_220 = arith.addi %scan3A_218, %scan3A_219 : i32
        %scan3A_221 = arith.constant 1 : i32
        %scan3A_222 = scf.for %scan3A_238 = %scan3A_218 to %scan3A_220 step %scan3A_221 iter_args(%scan3A_239 = %scan3A_217) -> (i32)  : i32 {
          %get3A = arith.index_cast %scan3A_238 : i32 to index
          %get3A_240 = arith.constant 0 : index
          %get3A_241 = tpu.vector_load %arg11[%get3A, %get3A_240] {strides = array<i32>} : memref<40x128xbf16, #tpu.memory_space<vmem>>, vector<32xbf16>,
          %bitcast3A = vector.bitcast %get3A_241 : vector<32xbf16> to vector<16xi32>
          %get3A_242 = arith.index_cast %scan3A_238 : i32 to index
          %get3A_243 = arith.constant 0 : index
          %get3A_244 = tpu.vector_load %arg13[%get3A_242, %get3A_243] {strides = array<i32>} : memref<40x128xbf16, #tpu.memory_space<vmem>>, vector<32xbf16>,
          %bitcast3A_245 = vector.bitcast %get3A_244 : vector<32xbf16> to vector<16xi32>
          %get3A_246 = arith.index_cast %scan3A_238 : i32 to index
          %get3A_247 = arith.constant 0 : index
          %get3A_248 = tpu.vector_load %arg15[%get3A_246, %get3A_247] {strides = array<i32>} : memref<40x128xbf16, #tpu.memory_space<vmem>>, vector<32xbf16>,
          %bitcast3A_249 = vector.bitcast %get3A_248 : vector<32xbf16> to vector<16xi32>
          %shift_left3A = arith.constant 16 : i32
          %shift_left3A_250 = vector.broadcast %shift_left3A : i32 to vector<16xi32>
          %shift_left3A_251 = arith.shli %bitcast3A, %shift_left3A_250 : vector<16xi32>
          %bitcast3A_252 = vector.bitcast %shift_left3A_251 : vector<16xi32> to vector<16xf32>
          %shift_left3A_253 = arith.constant 16 : i32
          %shift_left3A_254 = vector.broadcast %shift_left3A_253 : i32 to vector<16xi32>
          %shift_left3A_255 = arith.shli %bitcast3A_245, %shift_left3A_254 : vector<16xi32>
          %bitcast3A_256 = vector.bitcast %shift_left3A_255 : vector<16xi32> to vector<16xf32>
          %add3A_257 = arith.addf %bitcast3A_252, %bitcast3A_256 : vector<16xf32>
          %shift_left3A_258 = arith.constant 16 : i32
          %shift_left3A_259 = vector.broadcast %shift_left3A_258 : i32 to vector<16xi32>
          %shift_left3A_260 = arith.shli %bitcast3A_249, %shift_left3A_259 : vector<16xi32>
          %bitcast3A_261 = vector.bitcast %shift_left3A_260 : vector<16xi32> to vector<16xf32>
          %add3A_262 = arith.addf %add3A_257, %bitcast3A_261 : vector<16xf32>
          %and3A = vector.broadcast %scan3A_40 : i32 to vector<16xi32>
          %and3A_263 = arith.andi %bitcast3A, %and3A : vector<16xi32>
          %bitcast3A_264 = vector.bitcast %and3A_263 : vector<16xi32> to vector<16xf32>
          %and3A_265 = vector.broadcast %scan3A_40 : i32 to vector<16xi32>
          %and3A_266 = arith.andi %bitcast3A_245, %and3A_265 : vector<16xi32>
          %bitcast3A_267 = vector.bitcast %and3A_266 : vector<16xi32> to vector<16xf32>
          %add3A_268 = arith.addf %bitcast3A_264, %bitcast3A_267 : vector<16xf32>
          %and3A_269 = vector.broadcast %scan3A_40 : i32 to vector<16xi32>
          %and3A_270 = arith.andi %bitcast3A_249, %and3A_269 : vector<16xi32>
          %bitcast3A_271 = vector.bitcast %and3A_270 : vector<16xi32> to vector<16xf32>
          %add3A_272 = arith.addf %add3A_268, %bitcast3A_271 : vector<16xf32>
          %max3A = arith.constant 0.000000e+00 : f32
          %max3A_273 = vector.broadcast %max3A : f32 to vector<16xf32>
          %max3A_274 = arith.maximumf %add3A_262, %max3A_273 : vector<16xf32>
          %swap3A = arith.index_cast %scan3A_238 : i32 to index
          %swap3A_275 = arith.constant 0 : index
          %swap3A_276 = tpu.vector_load %arg17[%swap3A, %swap3A_275] {strides = array<i32>} : memref<40x144xf32, #tpu.memory_space<vmem>>, vector<16xf32>,
          tpu.vector_store %arg17[%swap3A, %swap3A_275], %max3A_274 {strides = array<i32>} : memref<40x144xf32, #tpu.memory_space<vmem>>, vector<16xf32>,
          %max3A_277 = arith.constant 0.000000e+00 : f32
          %max3A_278 = vector.broadcast %max3A_277 : f32 to vector<16xf32>
          %max3A_279 = arith.maximumf %add3A_272, %max3A_278 : vector<16xf32>
          %swap3A_280 = arith.index_cast %scan3A_238 : i32 to index
          %swap3A_281 = arith.constant 16 : index
          %swap3A_282 = tpu.vector_load %arg17[%swap3A_280, %swap3A_281] {strides = array<i32>} : memref<40x144xf32, #tpu.memory_space<vmem>>, vector<16xf32>,
          tpu.vector_store %arg17[%swap3A_280, %swap3A_281], %max3A_279 {strides = array<i32>} : memref<40x144xf32, #tpu.memory_space<vmem>>, vector<16xf32>,
          %get3A_283 = arith.index_cast %scan3A_238 : i32 to index
          %get3A_284 = arith.constant 32 : index
          %get3A_285 = tpu.vector_load %arg11[%get3A_283, %get3A_284] {strides = array<i32>} : memref<40x128xbf16, #tpu.memory_space<vmem>>, vector<32xbf16>,
          %bitcast3A_286 = vector.bitcast %get3A_285 : vector<32xbf16> to vector<16xi32>
          %get3A_287 = arith.index_cast %scan3A_238 : i32 to index
          %get3A_288 = arith.constant 32 : index
          %get3A_289 = tpu.vector_load %arg13[%get3A_287, %get3A_288] {strides = array<i32>} : memref<40x128xbf16, #tpu.memory_space<vmem>>, vector<32xbf16>,
          %bitcast3A_290 = vector.bitcast %get3A_289 : vector<32xbf16> to vector<16xi32>
          %get3A_291 = arith.index_cast %scan3A_238 : i32 to index
          %get3A_292 = arith.constant 32 : index
          %get3A_293 = tpu.vector_load %arg15[%get3A_291, %get3A_292] {strides = array<i32>} : memref<40x128xbf16, #tpu.memory_space<vmem>>, vector<32xbf16>,
          %bitcast3A_294 = vector.bitcast %get3A_293 : vector<32xbf16> to vector<16xi32>
          %shift_left3A_295 = arith.constant 16 : i32
          %shift_left3A_296 = vector.broadcast %shift_left3A_295 : i32 to vector<16xi32>
          %shift_left3A_297 = arith.shli %bitcast3A_286, %shift_left3A_296 : vector<16xi32>
          %bitcast3A_298 = vector.bitcast %shift_left3A_297 : vector<16xi32> to vector<16xf32>
          %shift_left3A_299 = arith.constant 16 : i32
          %shift_left3A_300 = vector.broadcast %shift_left3A_299 : i32 to vector<16xi32>
          %shift_left3A_301 = arith.shli %bitcast3A_290, %shift_left3A_300 : vector<16xi32>
          %bitcast3A_302 = vector.bitcast %shift_left3A_301 : vector<16xi32> to vector<16xf32>
          %add3A_303 = arith.addf %bitcast3A_298, %bitcast3A_302 : vector<16xf32>
          %shift_left3A_304 = arith.constant 16 : i32
          %shift_left3A_305 = vector.broadcast %shift_left3A_304 : i32 to vector<16xi32>
          %shift_left3A_306 = arith.shli %bitcast3A_294, %shift_left3A_305 : vector<16xi32>
          %bitcast3A_307 = vector.bitcast %shift_left3A_306 : vector<16xi32> to vector<16xf32>
          %add3A_308 = arith.addf %add3A_303, %bitcast3A_307 : vector<16xf32>
          %and3A_309 = vector.broadcast %scan3A_40 : i32 to vector<16xi32>
          %and3A_310 = arith.andi %bitcast3A_286, %and3A_309 : vector<16xi32>
          %bitcast3A_311 = vector.bitcast %and3A_310 : vector<16xi32> to vector<16xf32>
          %and3A_312 = vector.broadcast %scan3A_40 : i32 to vector<16xi32>
          %and3A_313 = arith.andi %bitcast3A_290, %and3A_312 : vector<16xi32>
          %bitcast3A_314 = vector.bitcast %and3A_313 : vector<16xi32> to vector<16xf32>
          %add3A_315 = arith.addf %bitcast3A_311, %bitcast3A_314 : vector<16xf32>
          %and3A_316 = vector.broadcast %scan3A_40 : i32 to vector<16xi32>
          %and3A_317 = arith.andi %bitcast3A_294, %and3A_316 : vector<16xi32>
          %bitcast3A_318 = vector.bitcast %and3A_317 : vector<16xi32> to vector<16xf32>
          %add3A_319 = arith.addf %add3A_315, %bitcast3A_318 : vector<16xf32>
          %max3A_320 = arith.constant 0.000000e+00 : f32
          %max3A_321 = vector.broadcast %max3A_320 : f32 to vector<16xf32>
          %max3A_322 = arith.maximumf %add3A_308, %max3A_321 : vector<16xf32>
          %swap3A_323 = arith.index_cast %scan3A_238 : i32 to index
          %swap3A_324 = arith.constant 32 : index
          %swap3A_325 = tpu.vector_load %arg17[%swap3A_323, %swap3A_324] {strides = array<i32>} : memref<40x144xf32, #tpu.memory_space<vmem>>, vector<16xf32>,
          tpu.vector_store %arg17[%swap3A_323, %swap3A_324], %max3A_322 {strides = array<i32>} : memref<40x144xf32, #tpu.memory_space<vmem>>, vector<16xf32>,
          %max3A_326 = arith.constant 0.000000e+00 : f32
          %max3A_327 = vector.broadcast %max3A_326 : f32 to vector<16xf32>
          %max3A_328 = arith.maximumf %add3A_319, %max3A_327 : vector<16xf32>
          %swap3A_329 = arith.index_cast %scan3A_238 : i32 to index
          %swap3A_330 = arith.constant 48 : index
          %swap3A_331 = tpu.vector_load %arg17[%swap3A_329, %swap3A_330] {strides = array<i32>} : memref<40x144xf32, #tpu.memory_space<vmem>>, vector<16xf32>,
          tpu.vector_store %arg17[%swap3A_329, %swap3A_330], %max3A_328 {strides = array<i32>} : memref<40x144xf32, #tpu.memory_space<vmem>>, vector<16xf32>,
          %get3A_332 = arith.index_cast %scan3A_238 : i32 to index
          %get3A_333 = arith.constant 64 : index
          %get3A_334 = tpu.vector_load %arg11[%get3A_332, %get3A_333] {strides = array<i32>} : memref<40x128xbf16, #tpu.memory_space<vmem>>, vector<32xbf16>,
          %bitcast3A_335 = vector.bitcast %get3A_334 : vector<32xbf16> to vector<16xi32>
          %get3A_336 = arith.index_cast %scan3A_238 : i32 to index
          %get3A_337 = arith.constant 64 : index
          %get3A_338 = tpu.vector_load %arg13[%get3A_336, %get3A_337] {strides = array<i32>} : memref<40x128xbf16, #tpu.memory_space<vmem>>, vector<32xbf16>,
          %bitcast3A_339 = vector.bitcast %get3A_338 : vector<32xbf16> to vector<16xi32>
          %get3A_340 = arith.index_cast %scan3A_238 : i32 to index
          %get3A_341 = arith.constant 64 : index
          %get3A_342 = tpu.vector_load %arg15[%get3A_340, %get3A_341] {strides = array<i32>} : memref<40x128xbf16, #tpu.memory_space<vmem>>, vector<32xbf16>,
          %bitcast3A_343 = vector.bitcast %get3A_342 : vector<32xbf16> to vector<16xi32>
          %shift_left3A_344 = arith.constant 16 : i32
          %shift_left3A_345 = vector.broadcast %shift_left3A_344 : i32 to vector<16xi32>
          %shift_left3A_346 = arith.shli %bitcast3A_335, %shift_left3A_345 : vector<16xi32>
          %bitcast3A_347 = vector.bitcast %shift_left3A_346 : vector<16xi32> to vector<16xf32>
          %shift_left3A_348 = arith.constant 16 : i32
          %shift_left3A_349 = vector.broadcast %shift_left3A_348 : i32 to vector<16xi32>
          %shift_left3A_350 = arith.shli %bitcast3A_339, %shift_left3A_349 : vector<16xi32>
          %bitcast3A_351 = vector.bitcast %shift_left3A_350 : vector<16xi32> to vector<16xf32>
          %add3A_352 = arith.addf %bitcast3A_347, %bitcast3A_351 : vector<16xf32>
          %shift_left3A_353 = arith.constant 16 : i32
          %shift_left3A_354 = vector.broadcast %shift_left3A_353 : i32 to vector<16xi32>
          %shift_left3A_355 = arith.shli %bitcast3A_343, %shift_left3A_354 : vector<16xi32>
          %bitcast3A_356 = vector.bitcast %shift_left3A_355 : vector<16xi32> to vector<16xf32>
          %add3A_357 = arith.addf %add3A_352, %bitcast3A_356 : vector<16xf32>
          %and3A_358 = vector.broadcast %scan3A_40 : i32 to vector<16xi32>
          %and3A_359 = arith.andi %bitcast3A_335, %and3A_358 : vector<16xi32>
          %bitcast3A_360 = vector.bitcast %and3A_359 : vector<16xi32> to vector<16xf32>
          %and3A_361 = vector.broadcast %scan3A_40 : i32 to vector<16xi32>
          %and3A_362 = arith.andi %bitcast3A_339, %and3A_361 : vector<16xi32>
          %bitcast3A_363 = vector.bitcast %and3A_362 : vector<16xi32> to vector<16xf32>
          %add3A_364 = arith.addf %bitcast3A_360, %bitcast3A_363 : vector<16xf32>
          %and3A_365 = vector.broadcast %scan3A_40 : i32 to vector<16xi32>
          %and3A_366 = arith.andi %bitcast3A_343, %and3A_365 : vector<16xi32>
          %bitcast3A_367 = vector.bitcast %and3A_366 : vector<16xi32> to vector<16xf32>
          %add3A_368 = arith.addf %add3A_364, %bitcast3A_367 : vector<16xf32>
          %max3A_369 = arith.constant 0.000000e+00 : f32
          %max3A_370 = vector.broadcast %max3A_369 : f32 to vector<16xf32>
          %max3A_371 = arith.maximumf %add3A_357, %max3A_370 : vector<16xf32>
          %swap3A_372 = arith.index_cast %scan3A_238 : i32 to index
          %swap3A_373 = arith.constant 64 : index
          %swap3A_374 = tpu.vector_load %arg17[%swap3A_372, %swap3A_373] {strides = array<i32>} : memref<40x144xf32, #tpu.memory_space<vmem>>, vector<16xf32>,
          tpu.vector_store %arg17[%swap3A_372, %swap3A_373], %max3A_371 {strides = array<i32>} : memref<40x144xf32, #tpu.memory_space<vmem>>, vector<16xf32>,
          %max3A_375 = arith.constant 0.000000e+00 : f32
          %max3A_376 = vector.broadcast %max3A_375 : f32 to vector<16xf32>
          %max3A_377 = arith.maximumf %add3A_368, %max3A_376 : vector<16xf32>
          %swap3A_378 = arith.index_cast %scan3A_238 : i32 to index
          %swap3A_379 = arith.constant 80 : index
          %swap3A_380 = tpu.vector_load %arg17[%swap3A_378, %swap3A_379] {strides = array<i32>} : memref<40x144xf32, #tpu.memory_space<vmem>>, vector<16xf32>,
          tpu.vector_store %arg17[%swap3A_378, %swap3A_379], %max3A_377 {strides = array<i32>} : memref<40x144xf32, #tpu.memory_space<vmem>>, vector<16xf32>,
          %get3A_381 = arith.index_cast %scan3A_238 : i32 to index
          %get3A_382 = arith.constant 96 : index
          %get3A_383 = tpu.vector_load %arg11[%get3A_381, %get3A_382] {strides = array<i32>} : memref<40x128xbf16, #tpu.memory_space<vmem>>, vector<32xbf16>,
          %bitcast3A_384 = vector.bitcast %get3A_383 : vector<32xbf16> to vector<16xi32>
          %get3A_385 = arith.index_cast %scan3A_238 : i32 to index
          %get3A_386 = arith.constant 96 : index
          %get3A_387 = tpu.vector_load %arg13[%get3A_385, %get3A_386] {strides = array<i32>} : memref<40x128xbf16, #tpu.memory_space<vmem>>, vector<32xbf16>,
          %bitcast3A_388 = vector.bitcast %get3A_387 : vector<32xbf16> to vector<16xi32>
          %get3A_389 = arith.index_cast %scan3A_238 : i32 to index
          %get3A_390 = arith.constant 96 : index
          %get3A_391 = tpu.vector_load %arg15[%get3A_389, %get3A_390] {strides = array<i32>} : memref<40x128xbf16, #tpu.memory_space<vmem>>, vector<32xbf16>,
          %bitcast3A_392 = vector.bitcast %get3A_391 : vector<32xbf16> to vector<16xi32>
          %shift_left3A_393 = arith.constant 16 : i32
          %shift_left3A_394 = vector.broadcast %shift_left3A_393 : i32 to vector<16xi32>
          %shift_left3A_395 = arith.shli %bitcast3A_384, %shift_left3A_394 : vector<16xi32>
          %bitcast3A_396 = vector.bitcast %shift_left3A_395 : vector<16xi32> to vector<16xf32>
          %shift_left3A_397 = arith.constant 16 : i32
          %shift_left3A_398 = vector.broadcast %shift_left3A_397 : i32 to vector<16xi32>
          %shift_left3A_399 = arith.shli %bitcast3A_388, %shift_left3A_398 : vector<16xi32>
          %bitcast3A_400 = vector.bitcast %shift_left3A_399 : vector<16xi32> to vector<16xf32>
          %add3A_401 = arith.addf %bitcast3A_396, %bitcast3A_400 : vector<16xf32>
          %shift_left3A_402 = arith.constant 16 : i32
          %shift_left3A_403 = vector.broadcast %shift_left3A_402 : i32 to vector<16xi32>
          %shift_left3A_404 = arith.shli %bitcast3A_392, %shift_left3A_403 : vector<16xi32>
          %bitcast3A_405 = vector.bitcast %shift_left3A_404 : vector<16xi32> to vector<16xf32>
          %add3A_406 = arith.addf %add3A_401, %bitcast3A_405 : vector<16xf32>
          %and3A_407 = vector.broadcast %scan3A_40 : i32 to vector<16xi32>
          %and3A_408 = arith.andi %bitcast3A_384, %and3A_407 : vector<16xi32>
          %bitcast3A_409 = vector.bitcast %and3A_408 : vector<16xi32> to vector<16xf32>
          %and3A_410 = vector.broadcast %scan3A_40 : i32 to vector<16xi32>
          %and3A_411 = arith.andi %bitcast3A_388, %and3A_410 : vector<16xi32>
          %bitcast3A_412 = vector.bitcast %and3A_411 : vector<16xi32> to vector<16xf32>
          %add3A_413 = arith.addf %bitcast3A_409, %bitcast3A_412 : vector<16xf32>
          %and3A_414 = vector.broadcast %scan3A_40 : i32 to vector<16xi32>
          %and3A_415 = arith.andi %bitcast3A_392, %and3A_414 : vector<16xi32>
          %bitcast3A_416 = vector.bitcast %and3A_415 : vector<16xi32> to vector<16xf32>
          %add3A_417 = arith.addf %add3A_413, %bitcast3A_416 : vector<16xf32>
          %max3A_418 = arith.constant 0.000000e+00 : f32
          %max3A_419 = vector.broadcast %max3A_418 : f32 to vector<16xf32>
          %max3A_420 = arith.maximumf %add3A_406, %max3A_419 : vector<16xf32>
          %swap3A_421 = arith.index_cast %scan3A_238 : i32 to index
          %swap3A_422 = arith.constant 96 : index
          %swap3A_423 = tpu.vector_load %arg17[%swap3A_421, %swap3A_422] {strides = array<i32>} : memref<40x144xf32, #tpu.memory_space<vmem>>, vector<16xf32>,
          tpu.vector_store %arg17[%swap3A_421, %swap3A_422], %max3A_420 {strides = array<i32>} : memref<40x144xf32, #tpu.memory_space<vmem>>, vector<16xf32>,
          %max3A_424 = arith.constant 0.000000e+00 : f32
          %max3A_425 = vector.broadcast %max3A_424 : f32 to vector<16xf32>
          %max3A_426 = arith.maximumf %add3A_417, %max3A_425 : vector<16xf32>
          %swap3A_427 = arith.index_cast %scan3A_238 : i32 to index
          %swap3A_428 = arith.constant 112 : index
          %swap3A_429 = tpu.vector_load %arg17[%swap3A_427, %swap3A_428] {strides = array<i32>} : memref<40x144xf32, #tpu.memory_space<vmem>>, vector<16xf32>,
          tpu.vector_store %arg17[%swap3A_427, %swap3A_428], %max3A_426 {strides = array<i32>} : memref<40x144xf32, #tpu.memory_space<vmem>>, vector<16xf32>,
          %scan3A_430 = arith.constant 0 : i32
          scf.yield %scan3A_430 : i32
        }
        %scan3A_223 = arith.constant 40 : i32
        %dma_start3A_224 = arith.constant 0 : i32
        %dma_start3A_225 = tpu.memref_slice %arg9[%add3A_180, %dma_start3A_224] : memref<10x40xi32, #tpu.memory_space<vmem>> -> memref<1x40xi32, #tpu.memory_space<vmem>>
        %dma_start3A_226 = tpu.memref_squeeze %dma_start3A_225 : memref<1x40xi32, #tpu.memory_space<vmem>> -> memref<40xi32, #tpu.memory_space<vmem>>
        %dma_start3A_227 = arith.constant 0 : i32
        %dma_start3A_228 = arith.constant 0 : i32
        %dma_start3A_229 = tpu.memref_slice %arg18[%dma_start3A_227, %dma_start3A_228] : memref<10000x144xf32, #tpu.memory_space<vmem_shared>> -> memref<10000x144xf32, #tpu.memory_space<vmem_shared>>
        tpu.enqueue_indirect_dma source(%arg17 : memref<40x144xf32, #tpu.memory_space<vmem>>) target(%dma_start3A_229 : memref<10000x144xf32, #tpu.memory_space<vmem_shared>>) offsets(%dma_start3A_226 : memref<40xi32, #tpu.memory_space<vmem>>) semaphore(%arg24 : memref<!tpu.dma_semaphore, #tpu.memory_space<semaphore_mem>>) {add = true}
        %add3A_230 = arith.constant 2 : i32
        %add3A_231 = arith.addi %add3A_180, %add3A_230 : i32
        %lt3A_232 = arith.constant 10 : i32
        %lt3A_233 = arith.cmpi slt, %add3A_231, %lt3A_232 : i32
        %convert_element_type3A_234 = arith.extui %lt3A_233 : i1 to i32
        %cond3A_235 = arith.constant 0 : i32
        %cond3A_236 = arith.cmpi ne, %convert_element_type3A_234, %cond3A_235 : i32
        scf.if %cond3A_236 {
          %add3A_238 = arith.constant 2 : i32
          %add3A_239 = arith.addi %add3A_180, %add3A_238 : i32
          %dma_start3A_240 = arith.constant 0 : i32
          %dma_start3A_241 = tpu.memref_slice %arg8[%add3A_239, %dma_start3A_240] : memref<10x40xi32, #tpu.memory_space<vmem>> -> memref<1x40xi32, #tpu.memory_space<vmem>>
          %dma_start3A_242 = tpu.memref_squeeze %dma_start3A_241 : memref<1x40xi32, #tpu.memory_space<vmem>> -> memref<40xi32, #tpu.memory_space<vmem>>
          %dma_start3A_243 = arith.constant 0 : i32
          %dma_start3A_244 = arith.constant 0 : i32
          %dma_start3A_245 = tpu.memref_slice %arg5[%dma_start3A_243, %dma_start3A_244] : memref<10000x128xbf16, #tpu.memory_space<hbm>> -> memref<10000x128xbf16, #tpu.memory_space<hbm>>
          tpu.enqueue_indirect_dma source(%dma_start3A_245 : memref<10000x128xbf16, #tpu.memory_space<hbm>>) target(%arg11 : memref<40x128xbf16, #tpu.memory_space<vmem>>) offsets(%dma_start3A_242 : memref<40xi32, #tpu.memory_space<vmem>>) semaphore(%arg20 : memref<!tpu.dma_semaphore, #tpu.memory_space<semaphore_mem>>)
          %dma_start3A_246 = arith.constant 0 : i32
          %dma_start3A_247 = tpu.memref_slice %arg9[%add3A_239, %dma_start3A_246] : memref<10x40xi32, #tpu.memory_space<vmem>> -> memref<1x40xi32, #tpu.memory_space<vmem>>
          %dma_start3A_248 = tpu.memref_squeeze %dma_start3A_247 : memref<1x40xi32, #tpu.memory_space<vmem>> -> memref<40xi32, #tpu.memory_space<vmem>>
          %dma_start3A_249 = arith.constant 0 : i32
          %dma_start3A_250 = arith.constant 0 : i32
          %dma_start3A_251 = tpu.memref_slice %arg6[%dma_start3A_249, %dma_start3A_250] : memref<10000x128xbf16, #tpu.memory_space<hbm>> -> memref<10000x128xbf16, #tpu.memory_space<hbm>>
          tpu.enqueue_indirect_dma source(%dma_start3A_251 : memref<10000x128xbf16, #tpu.memory_space<hbm>>) target(%arg13 : memref<40x128xbf16, #tpu.memory_space<vmem>>) offsets(%dma_start3A_248 : memref<40xi32, #tpu.memory_space<vmem>>) semaphore(%arg20 : memref<!tpu.dma_semaphore, #tpu.memory_space<semaphore_mem>>)
        } else {
        }
        %scan3A_237 = arith.constant 0 : i32
        scf.yield %scan3A_237 : i32
      }
      %scan3A_114 = arith.constant 5 : i32
      %scan3A_115 = arith.constant 0 : i32
      scf.yield %scan3A_115 : i32
    }
    %scan3A_47 = arith.constant 25 : i32
    %dma_wait3A = arith.constant 8 : i32
    %dma_wait3A_48 = arith.constant 0 : i32
    %dma_wait3A_49 = tpu.memref_slice %arg9[%dma_wait3A, %dma_wait3A_48] : memref<10x40xi32, #tpu.memory_space<vmem>> -> memref<1x40xi32, #tpu.memory_space<vmem>>
    %dma_wait3A_50 = tpu.memref_squeeze %dma_wait3A_49 : memref<1x40xi32, #tpu.memory_space<vmem>> -> memref<40xi32, #tpu.memory_space<vmem>>
    %dma_wait3A_51 = arith.constant 0 : i32
    %dma_wait3A_52 = arith.constant 0 : i32
    %dma_wait3A_53 = tpu.memref_slice %arg18[%dma_wait3A_51, %dma_wait3A_52] : memref<10000x144xf32, #tpu.memory_space<vmem_shared>> -> memref<10000x144xf32, #tpu.memory_space<vmem_shared>>
    tpu.wait_indirect_dma semaphore(%arg23 : memref<!tpu.dma_semaphore, #tpu.memory_space<semaphore_mem>>) src(%arg16 : memref<40x144xf32, #tpu.memory_space<vmem>>) dst(%dma_wait3A_53 : memref<10000x144xf32, #tpu.memory_space<vmem_shared>>)
    %dma_wait3A_54 = arith.constant 9 : i32
    %dma_wait3A_55 = arith.constant 0 : i32
    %dma_wait3A_56 = tpu.memref_slice %arg9[%dma_wait3A_54, %dma_wait3A_55] : memref<10x40xi32, #tpu.memory_space<vmem>> -> memref<1x40xi32, #tpu.memory_space<vmem>>
    %dma_wait3A_57 = tpu.memref_squeeze %dma_wait3A_56 : memref<1x40xi32, #tpu.memory_space<vmem>> -> memref<40xi32, #tpu.memory_space<vmem>>
    %dma_wait3A_58 = arith.constant 0 : i32
    %dma_wait3A_59 = arith.constant 0 : i32
    %dma_wait3A_60 = tpu.memref_slice %arg18[%dma_wait3A_58, %dma_wait3A_59] : memref<10000x144xf32, #tpu.memory_space<vmem_shared>> -> memref<10000x144xf32, #tpu.memory_space<vmem_shared>>
    tpu.wait_indirect_dma semaphore(%arg24 : memref<!tpu.dma_semaphore, #tpu.memory_space<semaphore_mem>>) src(%arg17 : memref<40x144xf32, #tpu.memory_space<vmem>>) dst(%dma_wait3A_60 : memref<10000x144xf32, #tpu.memory_space<vmem_shared>>)
    %barrier3A_61 = arith.constant 0 : index
    tpu.barrier barrier_id(%barrier3A_61)
    %scan3A_62 = arith.constant 0 : i32
    %scan3A_63 = arith.constant 0 : i32
    %scan3A_64 = arith.constant 15 : i32
    %scan3A_65 = arith.addi %scan3A_63, %scan3A_64 : i32
    %scan3A_66 = arith.constant 1 : i32
    %scan3A_67 = scf.for %scan3A_71 = %scan3A_63 to %scan3A_65 step %scan3A_66 iter_args(%scan3A_72 = %scan3A_62) -> (i32)  : i32 {
      %mul3A_73 = arith.constant 40 : i32
      %mul3A_74 = arith.muli %scan3A_71, %mul3A_73 : i32
      %add3A_75 = arith.addi %mul3A_14, %mul3A_74 : i32
      "tpu.region"() ({
        %run_scoped3A = tpu.sem_alloc : memref<!tpu.dma_semaphore, #tpu.memory_space<semaphore_mem>>
        %dma_start3A_77 = arith.constant 0 : i32
        %dma_start3A_78 = tpu.memref_slice %arg18[%add3A_75, %dma_start3A_77] : memref<10000x144xf32, #tpu.memory_space<vmem_shared>> -> memref<40x144xf32, #tpu.memory_space<vmem_shared>>
        %dma_start3A_79 = arith.constant 0 : i32
        %dma_start3A_80 = tpu.memref_slice %arg18[%add3A_75, %dma_start3A_79] : memref<10000x144xf32, #tpu.memory_space<vmem_shared>> -> memref<40x144xf32, #tpu.memory_space<vmem_shared>>
        tpu.enqueue_dma source(%dma_start3A_80 : memref<40x144xf32, #tpu.memory_space<vmem_shared>>) target(%arg16 : memref<40x144xf32, #tpu.memory_space<vmem>>) target_semaphore(%run_scoped3A : memref<!tpu.dma_semaphore, #tpu.memory_space<semaphore_mem>>)
        %dma_wait3A_81 = arith.constant 0 : i32
        %dma_wait3A_82 = tpu.memref_slice %arg18[%add3A_75, %dma_wait3A_81] : memref<10000x144xf32, #tpu.memory_space<vmem_shared>> -> memref<40x144xf32, #tpu.memory_space<vmem_shared>>
        %dma_wait3A_83 = arith.constant 0 : i32
        %dma_wait3A_84 = tpu.memref_slice %arg18[%add3A_75, %dma_wait3A_83] : memref<10000x144xf32, #tpu.memory_space<vmem_shared>> -> memref<40x144xf32, #tpu.memory_space<vmem_shared>>
        tpu.wait_dma2 semaphore(%run_scoped3A : memref<!tpu.dma_semaphore, #tpu.memory_space<semaphore_mem>>) src(%dma_wait3A_84 : memref<40x144xf32, #tpu.memory_space<vmem_shared>>) dst(%arg16 : memref<40x144xf32, #tpu.memory_space<vmem>>)
        tpu.yield
      }) : () -> ()
      "tpu.region"() ({
        %run_scoped3A = tpu.sem_alloc : memref<!tpu.dma_semaphore, #tpu.memory_space<semaphore_mem>>
        %dma_start3A_77 = arith.constant 0 : i32
        %dma_start3A_78 = arith.constant 0 : i32
        %dma_start3A_79 = tpu.memref_slice %arg7[%arg0, %dma_start3A_77, %dma_start3A_78] : memref<2x10000x144xf32, #tpu.memory_space<hbm>> -> memref<1x10000x144xf32, #tpu.memory_space<hbm>>
        %dma_start3A_80 = tpu.memref_squeeze %dma_start3A_79 : memref<1x10000x144xf32, #tpu.memory_space<hbm>> -> memref<10000x144xf32, #tpu.memory_space<hbm>>
        %dma_start3A_81 = arith.constant 0 : i32
        %dma_start3A_82 = tpu.memref_slice %dma_start3A_80[%add3A_75, %dma_start3A_81] : memref<10000x144xf32, #tpu.memory_space<hbm>> -> memref<40x144xf32, #tpu.memory_space<hbm>>
        %dma_start3A_83 = arith.constant 0 : i32
        %dma_start3A_84 = arith.constant 0 : i32
        %dma_start3A_85 = tpu.memref_slice %arg7[%arg0, %dma_start3A_83, %dma_start3A_84] : memref<2x10000x144xf32, #tpu.memory_space<hbm>> -> memref<1x10000x144xf32, #tpu.memory_space<hbm>>
        %dma_start3A_86 = tpu.memref_squeeze %dma_start3A_85 : memref<1x10000x144xf32, #tpu.memory_space<hbm>> -> memref<10000x144xf32, #tpu.memory_space<hbm>>
        %dma_start3A_87 = arith.constant 0 : i32
        %dma_start3A_88 = tpu.memref_slice %dma_start3A_86[%add3A_75, %dma_start3A_87] : memref<10000x144xf32, #tpu.memory_space<hbm>> -> memref<40x144xf32, #tpu.memory_space<hbm>>
        tpu.enqueue_dma source(%arg16 : memref<40x144xf32, #tpu.memory_space<vmem>>) target(%dma_start3A_88 : memref<40x144xf32, #tpu.memory_space<hbm>>) target_semaphore(%run_scoped3A : memref<!tpu.dma_semaphore, #tpu.memory_space<semaphore_mem>>)
        %dma_wait3A_89 = arith.constant 0 : i32
        %dma_wait3A_90 = arith.constant 0 : i32
        %dma_wait3A_91 = tpu.memref_slice %arg7[%arg0, %dma_wait3A_89, %dma_wait3A_90] : memref<2x10000x144xf32, #tpu.memory_space<hbm>> -> memref<1x10000x144xf32, #tpu.memory_space<hbm>>
        %dma_wait3A_92 = tpu.memref_squeeze %dma_wait3A_91 : memref<1x10000x144xf32, #tpu.memory_space<hbm>> -> memref<10000x144xf32, #tpu.memory_space<hbm>>
        %dma_wait3A_93 = arith.constant 0 : i32
        %dma_wait3A_94 = tpu.memref_slice %dma_wait3A_92[%add3A_75, %dma_wait3A_93] : memref<10000x144xf32, #tpu.memory_space<hbm>> -> memref<40x144xf32, #tpu.memory_space<hbm>>
        %dma_wait3A_95 = arith.constant 0 : i32
        %dma_wait3A_96 = arith.constant 0 : i32
        %dma_wait3A_97 = tpu.memref_slice %arg7[%arg0, %dma_wait3A_95, %dma_wait3A_96] : memref<2x10000x144xf32, #tpu.memory_space<hbm>> -> memref<1x10000x144xf32, #tpu.memory_space<hbm>>
        %dma_wait3A_98 = tpu.memref_squeeze %dma_wait3A_97 : memref<1x10000x144xf32, #tpu.memory_space<hbm>> -> memref<10000x144xf32, #tpu.memory_space<hbm>>
        %dma_wait3A_99 = arith.constant 0 : i32
        %dma_wait3A_100 = tpu.memref_slice %dma_wait3A_98[%add3A_75, %dma_wait3A_99] : memref<10000x144xf32, #tpu.memory_space<hbm>> -> memref<40x144xf32, #tpu.memory_space<hbm>>
        tpu.wait_dma2 semaphore(%run_scoped3A : memref<!tpu.dma_semaphore, #tpu.memory_space<semaphore_mem>>) src(%arg16 : memref<40x144xf32, #tpu.memory_space<vmem>>) dst(%dma_wait3A_100 : memref<40x144xf32, #tpu.memory_space<hbm>>)
        tpu.yield
      }) : () -> ()
      %scan3A_76 = arith.constant 0 : i32
      scf.yield %scan3A_76 : i32
    }
    %scan3A_68 = arith.constant 15 : i32
    %add3A_69 = arith.constant 600 : i32
    %add3A_70 = arith.addi %mul3A_14, %add3A_69 : i32
    "tpu.region"() ({
      %run_scoped3A = tpu.sem_alloc : memref<!tpu.dma_semaphore, #tpu.memory_space<semaphore_mem>>
      %dma_start3A_71 = arith.constant 0 : i32
      %dma_start3A_72 = arith.constant 0 : i32
      %dma_start3A_73 = tpu.memref_slice %arg16[%dma_start3A_71, %dma_start3A_72] : memref<40x144xf32, #tpu.memory_space<vmem>> -> memref<25x144xf32, #tpu.memory_space<vmem>>
      %dma_start3A_74 = arith.constant 0 : i32
      %dma_start3A_75 = tpu.memref_slice %arg18[%add3A_70, %dma_start3A_74] : memref<10000x144xf32, #tpu.memory_space<vmem_shared>> -> memref<25x144xf32, #tpu.memory_space<vmem_shared>>
      %dma_start3A_76 = arith.constant 0 : i32
      %dma_start3A_77 = arith.constant 0 : i32
      %dma_start3A_78 = tpu.memref_slice %arg16[%dma_start3A_76, %dma_start3A_77] : memref<40x144xf32, #tpu.memory_space<vmem>> -> memref<25x144xf32, #tpu.memory_space<vmem>>
      %dma_start3A_79 = arith.constant 0 : i32
      %dma_start3A_80 = tpu.memref_slice %arg18[%add3A_70, %dma_start3A_79] : memref<10000x144xf32, #tpu.memory_space<vmem_shared>> -> memref<25x144xf32, #tpu.memory_space<vmem_shared>>
      tpu.enqueue_dma source(%dma_start3A_80 : memref<25x144xf32, #tpu.memory_space<vmem_shared>>) target(%dma_start3A_78 : memref<25x144xf32, #tpu.memory_space<vmem>>) target_semaphore(%run_scoped3A : memref<!tpu.dma_semaphore, #tpu.memory_space<semaphore_mem>>)
      %dma_wait3A_81 = arith.constant 0 : i32
      %dma_wait3A_82 = arith.constant 0 : i32
      %dma_wait3A_83 = tpu.memref_slice %arg16[%dma_wait3A_81, %dma_wait3A_82] : memref<40x144xf32, #tpu.memory_space<vmem>> -> memref<25x144xf32, #tpu.memory_space<vmem>>
      %dma_wait3A_84 = arith.constant 0 : i32
      %dma_wait3A_85 = tpu.memref_slice %arg18[%add3A_70, %dma_wait3A_84] : memref<10000x144xf32, #tpu.memory_space<vmem_shared>> -> memref<25x144xf32, #tpu.memory_space<vmem_shared>>
      %dma_wait3A_86 = arith.constant 0 : i32
      %dma_wait3A_87 = arith.constant 0 : i32
      %dma_wait3A_88 = tpu.memref_slice %arg16[%dma_wait3A_86, %dma_wait3A_87] : memref<40x144xf32, #tpu.memory_space<vmem>> -> memref<25x144xf32, #tpu.memory_space<vmem>>
      %dma_wait3A_89 = arith.constant 0 : i32
      %dma_wait3A_90 = tpu.memref_slice %arg18[%add3A_70, %dma_wait3A_89] : memref<10000x144xf32, #tpu.memory_space<vmem_shared>> -> memref<25x144xf32, #tpu.memory_space<vmem_shared>>
      tpu.wait_dma2 semaphore(%run_scoped3A : memref<!tpu.dma_semaphore, #tpu.memory_space<semaphore_mem>>) src(%dma_wait3A_90 : memref<25x144xf32, #tpu.memory_space<vmem_shared>>) dst(%dma_wait3A_88 : memref<25x144xf32, #tpu.memory_space<vmem>>)
      tpu.yield
    }) : () -> ()
    "tpu.region"() ({
      %run_scoped3A = tpu.sem_alloc : memref<!tpu.dma_semaphore, #tpu.memory_space<semaphore_mem>>
      %dma_start3A_71 = arith.constant 0 : i32
      %dma_start3A_72 = arith.constant 0 : i32
      %dma_start3A_73 = tpu.memref_slice %arg16[%dma_start3A_71, %dma_start3A_72] : memref<40x144xf32, #tpu.memory_space<vmem>> -> memref<25x144xf32, #tpu.memory_space<vmem>>
      %dma_start3A_74 = arith.constant 0 : i32
      %dma_start3A_75 = arith.constant 0 : i32
      %dma_start3A_76 = tpu.memref_slice %arg7[%arg0, %dma_start3A_74, %dma_start3A_75] : memref<2x10000x144xf32, #tpu.memory_space<hbm>> -> memref<1x10000x144xf32, #tpu.memory_space<hbm>>
      %dma_start3A_77 = tpu.memref_squeeze %dma_start3A_76 : memref<1x10000x144xf32, #tpu.memory_space<hbm>> -> memref<10000x144xf32, #tpu.memory_space<hbm>>
      %dma_start3A_78 = arith.constant 0 : i32
      %dma_start3A_79 = tpu.memref_slice %dma_start3A_77[%add3A_70, %dma_start3A_78] : memref<10000x144xf32, #tpu.memory_space<hbm>> -> memref<25x144xf32, #tpu.memory_space<hbm>>
      %dma_start3A_80 = arith.constant 0 : i32
      %dma_start3A_81 = arith.constant 0 : i32
      %dma_start3A_82 = tpu.memref_slice %arg7[%arg0, %dma_start3A_80, %dma_start3A_81] : memref<2x10000x144xf32, #tpu.memory_space<hbm>> -> memref<1x10000x144xf32, #tpu.memory_space<hbm>>
      %dma_start3A_83 = tpu.memref_squeeze %dma_start3A_82 : memref<1x10000x144xf32, #tpu.memory_space<hbm>> -> memref<10000x144xf32, #tpu.memory_space<hbm>>
      %dma_start3A_84 = arith.constant 0 : i32
      %dma_start3A_85 = tpu.memref_slice %dma_start3A_83[%add3A_70, %dma_start3A_84] : memref<10000x144xf32, #tpu.memory_space<hbm>> -> memref<25x144xf32, #tpu.memory_space<hbm>>
      %dma_start3A_86 = arith.constant 0 : i32
      %dma_start3A_87 = arith.constant 0 : i32
      %dma_start3A_88 = tpu.memref_slice %arg16[%dma_start3A_86, %dma_start3A_87] : memref<40x144xf32, #tpu.memory_space<vmem>> -> memref<25x144xf32, #tpu.memory_space<vmem>>
      tpu.enqueue_dma source(%dma_start3A_88 : memref<25x144xf32, #tpu.memory_space<vmem>>) target(%dma_start3A_85 : memref<25x144xf32, #tpu.memory_space<hbm>>) target_semaphore(%run_scoped3A : memref<!tpu.dma_semaphore, #tpu.memory_space<semaphore_mem>>)
      %dma_wait3A_89 = arith.constant 0 : i32
      %dma_wait3A_90 = arith.constant 0 : i32
      %dma_wait3A_91 = tpu.memref_slice %arg16[%dma_wait3A_89, %dma_wait3A_90] : memref<40x144xf32, #tpu.memory_space<vmem>> -> memref<25x144xf32, #tpu.memory_space<vmem>>
      %dma_wait3A_92 = arith.constant 0 : i32
      %dma_wait3A_93 = arith.constant 0 : i32
      %dma_wait3A_94 = tpu.memref_slice %arg7[%arg0, %dma_wait3A_92, %dma_wait3A_93] : memref<2x10000x144xf32, #tpu.memory_space<hbm>> -> memref<1x10000x144xf32, #tpu.memory_space<hbm>>
      %dma_wait3A_95 = tpu.memref_squeeze %dma_wait3A_94 : memref<1x10000x144xf32, #tpu.memory_space<hbm>> -> memref<10000x144xf32, #tpu.memory_space<hbm>>
      %dma_wait3A_96 = arith.constant 0 : i32
      %dma_wait3A_97 = tpu.memref_slice %dma_wait3A_95[%add3A_70, %dma_wait3A_96] : memref<10000x144xf32, #tpu.memory_space<hbm>> -> memref<25x144xf32, #tpu.memory_space<hbm>>
      %dma_wait3A_98 = arith.constant 0 : i32
      %dma_wait3A_99 = arith.constant 0 : i32
      %dma_wait3A_100 = tpu.memref_slice %arg7[%arg0, %dma_wait3A_98, %dma_wait3A_99] : memref<2x10000x144xf32, #tpu.memory_space<hbm>> -> memref<1x10000x144xf32, #tpu.memory_space<hbm>>
      %dma_wait3A_101 = tpu.memref_squeeze %dma_wait3A_100 : memref<1x10000x144xf32, #tpu.memory_space<hbm>> -> memref<10000x144xf32, #tpu.memory_space<hbm>>
      %dma_wait3A_102 = arith.constant 0 : i32
      %dma_wait3A_103 = tpu.memref_slice %dma_wait3A_101[%add3A_70, %dma_wait3A_102] : memref<10000x144xf32, #tpu.memory_space<hbm>> -> memref<25x144xf32, #tpu.memory_space<hbm>>
      %dma_wait3A_104 = arith.constant 0 : i32
      %dma_wait3A_105 = arith.constant 0 : i32
      %dma_wait3A_106 = tpu.memref_slice %arg16[%dma_wait3A_104, %dma_wait3A_105] : memref<40x144xf32, #tpu.memory_space<vmem>> -> memref<25x144xf32, #tpu.memory_space<vmem>>
      tpu.wait_dma2 semaphore(%run_scoped3A : memref<!tpu.dma_semaphore, #tpu.memory_space<semaphore_mem>>) src(%dma_wait3A_106 : memref<25x144xf32, #tpu.memory_space<vmem>>) dst(%dma_wait3A_103 : memref<25x144xf32, #tpu.memory_space<hbm>>)
      tpu.yield
    }) : () -> ()
    return
  }
}

module attributes {stable_mosaic.version = 14 : i64} {
  func.func @_ea_body(%arg0: i32, %arg1: memref<2000x128xf32, #tpu.memory_space<vmem>>, %arg2: memref<128x128xf32, #tpu.memory_space<vmem>>, %arg3: memref<1x128xf32, #tpu.memory_space<vmem>>, %arg4: memref<2000x128xbf16, #tpu.memory_space<vmem>>) attributes {dimension_semantics = [#tpu.dimension_semantics<arbitrary>], iteration_bounds = array<i64: 160>, scalar_prefetch = 0 : i64, scratch_operands = 0 : i64, tpu.core_type = #tpu.core_type<tc>, window_params = [{transform_indices = @transform_0, window_bounds = array<i64: 2000, 128>}, {pipeline_mode = #tpu.pipeline_mode<synchronous>, transform_indices = @transform_1, window_bounds = array<i64: 128, 128>}, {pipeline_mode = #tpu.pipeline_mode<synchronous>, transform_indices = @transform_2, window_bounds = array<i64: 1, 128>}, {transform_indices = @transform_3, window_bounds = array<i64: 2000, 128>}]} {
    %get3A = arith.constant 0 : index
    %get3A_0 = arith.constant 0 : index
    %get3A_1 = vector.load %arg1[%get3A, %get3A_0] : memref<2000x128xf32, #tpu.memory_space<vmem>>, vector<2000x128xf32>
    %get3A_2 = arith.constant 0 : index
    %get3A_3 = arith.constant 0 : index
    %get3A_4 = vector.load %arg2[%get3A_2, %get3A_3] : memref<128x128xf32, #tpu.memory_space<vmem>>, vector<128x128xf32>
    %dot_general3A = arith.constant dense<0.000000e+00> : vector<2000x128xf32>
    %dot_general3A_5 = tpu.matmul %get3A_1, %get3A_4, %dot_general3A {dimension_numbers = #tpu.dot_dimension_numbers<[1], [0], [0], [1], [0, 0, 1, 1], [], []>, transpose_lhs_hint = false} : vector<2000x128xf32>, vector<128x128xf32>, vector<2000x128xf32> -> vector<2000x128xf32>
    %get3A_6 = arith.constant 0 : index
    %get3A_7 = arith.constant 0 : index
    %get3A_8 = vector.load %arg3[%get3A_6, %get3A_7] : memref<1x128xf32, #tpu.memory_space<vmem>>, vector<1x128xf32>
    %add3A = vector.broadcast %get3A_8 : vector<1x128xf32> to vector<2000x128xf32>
    %add3A_9 = arith.addf %dot_general3A_5, %add3A : vector<2000x128xf32>
    %convert_element_type3A = arith.truncf %add3A_9 : vector<2000x128xf32> to vector<2000x128xbf16>
    %swap3A = arith.constant 0 : index
    %swap3A_10 = arith.constant 0 : index
    %swap3A_11 = vector.load %arg4[%swap3A, %swap3A_10] : memref<2000x128xbf16, #tpu.memory_space<vmem>>, vector<2000x128xbf16>
    tpu.vector_store %arg4[%swap3A, %swap3A_10], %convert_element_type3A {strides = array<i32>} : memref<2000x128xbf16, #tpu.memory_space<vmem>>, vector<2000x128xbf16>,
    return
  }
  func.func @transform_0(%arg0: i32) -> (i32, i32) {
    %c0_i32 = arith.constant 0 : i32
    %c0_i32_0 = arith.constant 0 : i32
    return %arg0, %c0_i32 : i32, i32
  }
  func.func @transform_1(%arg0: i32) -> (i32, i32) {
    %c0_i32 = arith.constant 0 : i32
    %c0_i32_0 = arith.constant 0 : i32
    %c0_i32_1 = arith.constant 0 : i32
    return %c0_i32, %c0_i32_0 : i32, i32
  }
  func.func @transform_2(%arg0: i32) -> (i32, i32) {
    %c0_i32 = arith.constant 0 : i32
    %c0_i32_0 = arith.constant 0 : i32
    %c0_i32_1 = arith.constant 0 : i32
    return %c0_i32, %c0_i32_0 : i32, i32
  }
  func.func @transform_3(%arg0: i32) -> (i32, i32) {
    %c0_i32 = arith.constant 0 : i32
    %c0_i32_0 = arith.constant 0 : i32
    return %arg0, %c0_i32 : i32, i32
  }
}

module attributes {stable_mosaic.version = 14 : i64} {
  func.func @_xab_body(%arg0: i32, %arg1: memref<2000x128xf32, #tpu.memory_space<vmem>>, %arg2: memref<128x256xf32, #tpu.memory_space<vmem>>, %arg3: memref<2000x256xbf16, #tpu.memory_space<vmem>>) attributes {dimension_semantics = [#tpu.dimension_semantics<arbitrary>], iteration_bounds = array<i64: 5>, scalar_prefetch = 0 : i64, scratch_operands = 0 : i64, tpu.core_type = #tpu.core_type<tc>, window_params = [{transform_indices = @transform_0, window_bounds = array<i64: 2000, 128>}, {pipeline_mode = #tpu.pipeline_mode<synchronous>, transform_indices = @transform_1, window_bounds = array<i64: 128, 256>}, {transform_indices = @transform_2, window_bounds = array<i64: 2000, 256>}]} {
    %get3A = arith.constant 0 : index
    %get3A_0 = arith.constant 0 : index
    %get3A_1 = vector.load %arg1[%get3A, %get3A_0] : memref<2000x128xf32, #tpu.memory_space<vmem>>, vector<2000x128xf32>
    %get3A_2 = arith.constant 0 : index
    %get3A_3 = arith.constant 0 : index
    %get3A_4 = vector.load %arg2[%get3A_2, %get3A_3] : memref<128x256xf32, #tpu.memory_space<vmem>>, vector<128x256xf32>
    %dot_general3A = arith.constant dense<0.000000e+00> : vector<2000x256xf32>
    %dot_general3A_5 = tpu.matmul %get3A_1, %get3A_4, %dot_general3A {dimension_numbers = #tpu.dot_dimension_numbers<[1], [0], [0], [1], [0, 0, 1, 1], [], []>, transpose_lhs_hint = false} : vector<2000x128xf32>, vector<128x256xf32>, vector<2000x256xf32> -> vector<2000x256xf32>
    %convert_element_type3A = arith.truncf %dot_general3A_5 : vector<2000x256xf32> to vector<2000x256xbf16>
    %swap3A = arith.constant 0 : index
    %swap3A_6 = arith.constant 0 : index
    %swap3A_7 = vector.load %arg3[%swap3A, %swap3A_6] : memref<2000x256xbf16, #tpu.memory_space<vmem>>, vector<2000x256xbf16>
    tpu.vector_store %arg3[%swap3A, %swap3A_6], %convert_element_type3A {strides = array<i32>} : memref<2000x256xbf16, #tpu.memory_space<vmem>>, vector<2000x256xbf16>,
    return
  }
  func.func @transform_0(%arg0: i32) -> (i32, i32) {
    %c0_i32 = arith.constant 0 : i32
    %c0_i32_0 = arith.constant 0 : i32
    return %arg0, %c0_i32 : i32, i32
  }
  func.func @transform_1(%arg0: i32) -> (i32, i32) {
    %c0_i32 = arith.constant 0 : i32
    %c0_i32_0 = arith.constant 0 : i32
    %c0_i32_1 = arith.constant 0 : i32
    return %c0_i32, %c0_i32_0 : i32, i32
  }
  func.func @transform_2(%arg0: i32) -> (i32, i32) {
    %c0_i32 = arith.constant 0 : i32
    %c0_i32_0 = arith.constant 0 : i32
    return %arg0, %c0_i32 : i32, i32
  }
}

module attributes {stable_mosaic.version = 14 : i64} {
  func.func @_node_body(%arg0: i32, %arg1: memref<2000x144xf32, #tpu.memory_space<vmem>>, %arg2: memref<2000x144xf32, #tpu.memory_space<vmem>>, %arg3: memref<2000x128xf32, #tpu.memory_space<vmem>>, %arg4: memref<144x128xf32, #tpu.memory_space<vmem>>, %arg5: memref<128x128xf32, #tpu.memory_space<vmem>>, %arg6: memref<128x128xf32, #tpu.memory_space<vmem>>, %arg7: memref<1x128xf32, #tpu.memory_space<vmem>>, %arg8: memref<128x128xf32, #tpu.memory_space<vmem>>, %arg9: memref<1x128xf32, #tpu.memory_space<vmem>>, %arg10: memref<2000x128xf32, #tpu.memory_space<vmem>>) attributes {dimension_semantics = [#tpu.dimension_semantics<arbitrary>], iteration_bounds = array<i64: 5>, scalar_prefetch = 0 : i64, scratch_operands = 0 : i64, tpu.core_type = #tpu.core_type<tc>, window_params = [{transform_indices = @transform_0, window_bounds = array<i64: 2000, 144>}, {transform_indices = @transform_1, window_bounds = array<i64: 2000, 144>}, {transform_indices = @transform_2, window_bounds = array<i64: 2000, 128>}, {pipeline_mode = #tpu.pipeline_mode<synchronous>, transform_indices = @transform_3, window_bounds = array<i64: 144, 128>}, {pipeline_mode = #tpu.pipeline_mode<synchronous>, transform_indices = @transform_4, window_bounds = array<i64: 128, 128>}, {pipeline_mode = #tpu.pipeline_mode<synchronous>, transform_indices = @transform_5, window_bounds = array<i64: 128, 128>}, {pipeline_mode = #tpu.pipeline_mode<synchronous>, transform_indices = @transform_6, window_bounds = array<i64: 1, 128>}, {pipeline_mode = #tpu.pipeline_mode<synchronous>, transform_indices = @transform_7, window_bounds = array<i64: 128, 128>}, {pipeline_mode = #tpu.pipeline_mode<synchronous>, transform_indices = @transform_8, window_bounds = array<i64: 1, 128>}, {transform_indices = @transform_9, window_bounds = array<i64: 2000, 128>}]} {
    %get3A = arith.constant 0 : index
    %get3A_0 = arith.constant 0 : index
    %get3A_1 = vector.load %arg1[%get3A, %get3A_0] : memref<2000x144xf32, #tpu.memory_space<vmem>>, vector<2000x144xf32>
    %get3A_2 = arith.constant 0 : index
    %get3A_3 = arith.constant 0 : index
    %get3A_4 = vector.load %arg2[%get3A_2, %get3A_3] : memref<2000x144xf32, #tpu.memory_space<vmem>>, vector<2000x144xf32>
    %add3A = arith.addf %get3A_1, %get3A_4 : vector<2000x144xf32>
    %get3A_5 = arith.constant 0 : index
    %get3A_6 = arith.constant 0 : index
    %get3A_7 = vector.load %arg4[%get3A_5, %get3A_6] : memref<144x128xf32, #tpu.memory_space<vmem>>, vector<144x128xf32>
    %dot_general3A = arith.constant dense<0.000000e+00> : vector<2000x128xf32>
    %dot_general3A_8 = tpu.matmul %add3A, %get3A_7, %dot_general3A {dimension_numbers = #tpu.dot_dimension_numbers<[1], [0], [0], [1], [0, 0, 1, 1], [], []>, transpose_lhs_hint = false} : vector<2000x144xf32>, vector<144x128xf32>, vector<2000x128xf32> -> vector<2000x128xf32>
    %get3A_9 = arith.constant 0 : index
    %get3A_10 = arith.constant 0 : index
    %get3A_11 = vector.load %arg3[%get3A_9, %get3A_10] : memref<2000x128xf32, #tpu.memory_space<vmem>>, vector<2000x128xf32>
    %get3A_12 = arith.constant 0 : index
    %get3A_13 = arith.constant 0 : index
    %get3A_14 = vector.load %arg5[%get3A_12, %get3A_13] : memref<128x128xf32, #tpu.memory_space<vmem>>, vector<128x128xf32>
    %dot_general3A_15 = arith.constant dense<0.000000e+00> : vector<2000x128xf32>
    %dot_general3A_16 = tpu.matmul %get3A_11, %get3A_14, %dot_general3A_15 {dimension_numbers = #tpu.dot_dimension_numbers<[1], [0], [0], [1], [0, 0, 1, 1], [], []>, transpose_lhs_hint = false} : vector<2000x128xf32>, vector<128x128xf32>, vector<2000x128xf32> -> vector<2000x128xf32>
    %get3A_17 = arith.constant 0 : index
    %get3A_18 = arith.constant 0 : index
    %get3A_19 = vector.load %arg6[%get3A_17, %get3A_18] : memref<128x128xf32, #tpu.memory_space<vmem>>, vector<128x128xf32>
    %dot_general3A_20 = arith.constant dense<0.000000e+00> : vector<2000x128xf32>
    %dot_general3A_21 = tpu.matmul %dot_general3A_8, %get3A_19, %dot_general3A_20 {dimension_numbers = #tpu.dot_dimension_numbers<[1], [0], [0], [1], [0, 0, 1, 1], [], []>, transpose_lhs_hint = false} : vector<2000x128xf32>, vector<128x128xf32>, vector<2000x128xf32> -> vector<2000x128xf32>
    %add3A_22 = arith.addf %dot_general3A_16, %dot_general3A_21 : vector<2000x128xf32>
    %get3A_23 = arith.constant 0 : index
    %get3A_24 = arith.constant 0 : index
    %get3A_25 = vector.load %arg7[%get3A_23, %get3A_24] : memref<1x128xf32, #tpu.memory_space<vmem>>, vector<1x128xf32>
    %add3A_26 = vector.broadcast %get3A_25 : vector<1x128xf32> to vector<2000x128xf32>
    %add3A_27 = arith.addf %add3A_22, %add3A_26 : vector<2000x128xf32>
    %max3A = arith.constant 0.000000e+00 : f32
    %max3A_28 = vector.broadcast %max3A : f32 to vector<2000x128xf32>
    %max3A_29 = arith.maximumf %add3A_27, %max3A_28 : vector<2000x128xf32>
    %get3A_30 = arith.constant 0 : index
    %get3A_31 = arith.constant 0 : index
    %get3A_32 = vector.load %arg8[%get3A_30, %get3A_31] : memref<128x128xf32, #tpu.memory_space<vmem>>, vector<128x128xf32>
    %dot_general3A_33 = arith.constant dense<0.000000e+00> : vector<2000x128xf32>
    %dot_general3A_34 = tpu.matmul %max3A_29, %get3A_32, %dot_general3A_33 {dimension_numbers = #tpu.dot_dimension_numbers<[1], [0], [0], [1], [0, 0, 1, 1], [], []>, transpose_lhs_hint = false} : vector<2000x128xf32>, vector<128x128xf32>, vector<2000x128xf32> -> vector<2000x128xf32>
    %get3A_35 = arith.constant 0 : index
    %get3A_36 = arith.constant 0 : index
    %get3A_37 = vector.load %arg9[%get3A_35, %get3A_36] : memref<1x128xf32, #tpu.memory_space<vmem>>, vector<1x128xf32>
    %add3A_38 = vector.broadcast %get3A_37 : vector<1x128xf32> to vector<2000x128xf32>
    %add3A_39 = arith.addf %dot_general3A_34, %add3A_38 : vector<2000x128xf32>
    %swap3A = arith.constant 0 : index
    %swap3A_40 = arith.constant 0 : index
    %swap3A_41 = vector.load %arg10[%swap3A, %swap3A_40] : memref<2000x128xf32, #tpu.memory_space<vmem>>, vector<2000x128xf32>
    tpu.vector_store %arg10[%swap3A, %swap3A_40], %add3A_39 {strides = array<i32>} : memref<2000x128xf32, #tpu.memory_space<vmem>>, vector<2000x128xf32>,
    return
  }
  func.func @transform_0(%arg0: i32) -> (i32, i32) {
    %c0_i32 = arith.constant 0 : i32
    %c0_i32_0 = arith.constant 0 : i32
    return %arg0, %c0_i32 : i32, i32
  }
  func.func @transform_1(%arg0: i32) -> (i32, i32) {
    %c0_i32 = arith.constant 0 : i32
    %c0_i32_0 = arith.constant 0 : i32
    return %arg0, %c0_i32 : i32, i32
  }
  func.func @transform_2(%arg0: i32) -> (i32, i32) {
    %c0_i32 = arith.constant 0 : i32
    %c0_i32_0 = arith.constant 0 : i32
    return %arg0, %c0_i32 : i32, i32
  }
  func.func @transform_3(%arg0: i32) -> (i32, i32) {
    %c0_i32 = arith.constant 0 : i32
    %c0_i32_0 = arith.constant 0 : i32
    %c0_i32_1 = arith.constant 0 : i32
    return %c0_i32, %c0_i32_0 : i32, i32
  }
  func.func @transform_4(%arg0: i32) -> (i32, i32) {
    %c0_i32 = arith.constant 0 : i32
    %c0_i32_0 = arith.constant 0 : i32
    %c0_i32_1 = arith.constant 0 : i32
    return %c0_i32, %c0_i32_0 : i32, i32
  }
  func.func @transform_5(%arg0: i32) -> (i32, i32) {
    %c0_i32 = arith.constant 0 : i32
    %c0_i32_0 = arith.constant 0 : i32
    %c0_i32_1 = arith.constant 0 : i32
    return %c0_i32, %c0_i32_0 : i32, i32
  }
  func.func @transform_6(%arg0: i32) -> (i32, i32) {
    %c0_i32 = arith.constant 0 : i32
    %c0_i32_0 = arith.constant 0 : i32
    %c0_i32_1 = arith.constant 0 : i32
    return %c0_i32, %c0_i32_0 : i32, i32
  }
  func.func @transform_7(%arg0: i32) -> (i32, i32) {
    %c0_i32 = arith.constant 0 : i32
    %c0_i32_0 = arith.constant 0 : i32
    %c0_i32_1 = arith.constant 0 : i32
    return %c0_i32, %c0_i32_0 : i32, i32
  }
  func.func @transform_8(%arg0: i32) -> (i32, i32) {
    %c0_i32 = arith.constant 0 : i32
    %c0_i32_0 = arith.constant 0 : i32
    %c0_i32_1 = arith.constant 0 : i32
    return %c0_i32, %c0_i32_0 : i32, i32
  }
  func.func @transform_9(%arg0: i32) -> (i32, i32) {
    %c0_i32 = arith.constant 0 : i32
    %c0_i32_0 = arith.constant 0 : i32
    return %arg0, %c0_i32 : i32, i32
  }
}

</mosaic_0001>

<sc_bundles>
// kernel: kernel.6.cloned.1.call-start
scs
__scs_entry_jumppad:
0x0: {  	(pc) =	sbr.rel $0x88, $3  }
0x1: {  	(tag) =	ssettag $0x0;
	lr =	simm.s32 $0x1  }
0x2: {  	[smem:$0x3F96] =	sst lr;
	_ =	strace $0xD0000000  }
0x3: {  	_ = 	snop  }
0x4: {  	_ = 	snop  }
0x5: {  	_ = 	snop  }
0x6: {  	_ = 	snop  }
0x7: {  	_ = 	snop  }
__scs_overlays_trampoline_lowered:
0x8: {  	[smem:$0x3FA5] =	sst s0  }
0x9: {  	[smem:$0x3FA6] =	sst s1  }
0xa: {  	[smem:$0x3FA7] =	sst s2  }
0xb: {  	[smem:$0x3FA8] =	sst s3  }
0xc: {  	[smem:$0x3FA9] =	sst s4  }
0xd: {  	[smem:$0x3FAA] =	sst s5  }
0xe: {  	[smem:$0x3FAB] =	sst s6  }
0xf: {  	[smem:$0x3FAC] =	sst s7  }
0x10: {  	[smem:$0x3FAD] =	sst s8  }
0x11: {  	[smem:$0x3FAE] =	sst s9;
	s0 =	simm.s32 @!p0 $0x0  }
0x12: {  	s1 =	sld [smem:$0x3F94];
	s0 =	simm.s32 @p0 $0x1  }
0x13: {  	[smem:$0x3FAF] =	sst s0;
	s0 =	simm.s32 @!p1 $0x0  }
0x14: {  	s2 =	sld [smem:$0x3F93];
	s0 =	simm.s32 @p1 $0x1  }
0x15: {  	[smem:$0x3FB0] =	sst s0;
	s0 =	simm.s32 @!p2 $0x0  }
0x16: {  	s3 =	sld [smem:$0x3FDB];
	s0 =	simm.s32 @p2 $0x1  }
0x17: {  	s4 =	simm.s32 $0x1BF5;
	[smem:$0x3FB2] =	sst s0  }
0x18: {  	s0 =	sld [smem:$0x3F95];
	_ =	swait.ge [sflag:s4], $0x0  }
0x19: {  	s7 =	sld [smem:$0x3F96]  }
0x1a: {  	s8 =	sadd.s32 $0xFFFFE003, lr  }
0x1b: {  	s9 =	sadd.s32 $0xFFFFFEF7, lr;
	s5 =	simm.s32 $0xFFFFFFFF;
	p2 =	slt.u32 s8, $0xFFFFF086  }
0x1c: {  	p1 =	slt.u32 s9, $0xF7A;
	s5 =	simm.s32 @!p2 $0x0  }
0x1d: {  	s5 =	simm.s32 @p1 $0x1;
	p0 =	seq.s32 s7, s2  }
0x1e: {  	s7 =	smul.u32 @!p0 $0xF7A, s2;
	p2 =	seq.s32 @!p0 s5, $0x0  }
0x1f: {  	s9 =	smul.u32 $0xF7A, s1;
	s8 =	simm.s32 @!p0 $0x1BF5;
	p2 =	por !p2, p0  }
0x20: {  	[sflag:s8] =	ssyncset.s32 @!p0 $0xFFFFF086;
	s6 =	sadd.s32 @!p0 s3, s7;
	s7 =	simm.s32 @!p0 $0x108  }
0x21: {  	s3 =	sadd.s32 s3, s9;
	s6 =	sadd.s32 @!p0 $0x88, s6;
	s7 =	simm.s32 @p2 $0x1082  }
0x22: {  	[simem:s7], [sflag:s8] =	dma.local @!p0 [hbm:s6], $0xF7A  }
0x23: {  	s9 =	sor.u32 $0xD0000000, s2;
	s6 =	simm.s32 $0x108;
	_ =	swait.ge @!p0 [sflag:s8], $0x0  }
0x24: {  	s3 =	sadd.s32 $0x88, s3;
	s6 =	simm.s32 @!p1 $0x1082;
	[sflag:s4] =	ssyncset.s32 $0xFFFFF086  }
0x25: {  	[simem:s6], [sflag:s4] =	dma.local [hbm:s3], $0xF7A  }
0x26: {  	[smem:$0x3F96] =	sst s1;
	(tag) =	ssettag s2;
	_ =	strace s9  }
0x27: {  	s1 =	sld [smem:$0x3FA6]  }
0x28: {  	s2 =	sld [smem:$0x3FA7]  }
0x29: {  	s4 =	sld [smem:$0x3FA9]  }
0x2a: {  	p0 =	seq.s32 s5, $0x0;
	s5 =	sld [smem:$0x3FAA]  }
0x2b: {  	s6 =	sld [smem:$0x3FAB]  }
0x2c: {  	s7 =	sld [smem:$0x3FAC]  }
0x2d: {  	s3 =	simm.s32 $0x108;
	s8 =	sld [smem:$0x3FAD]  }
0x2e: {  	s3 =	simm.s32 @!p0 $0x1082;
	s9 =	sld [smem:$0x3FAE]  }
0x2f: {  	lr =	sadd.s32 s0, s3;
	s0 =	sld [smem:$0x3FA5]  }
0x30: {  	s3 =	sld [smem:$0x3FA8]  }
0x31: {  	[smem:$0x3FB1] =	sst s10  }
0x32: {  	s10 =	sld [smem:$0x3FAF];
	_ =	sdelay $0x3  }
0x33: {  	p0 =	seq.s32 s10, $0x1;
	s10 =	sld [smem:$0x3FB1];
	_ =	sdelay $0x3  }
0x34: {  	[smem:$0x3FB1] =	sst s10  }
0x35: {  	s10 =	sld [smem:$0x3FB0];
	_ =	sdelay $0x3  }
0x36: {  	p1 =	seq.s32 s10, $0x1;
	s10 =	sld [smem:$0x3FB1];
	_ =	sdelay $0x3  }
0x37: {  	[smem:$0x3FB1] =	sst s10  }
0x38: {  	s10 =	sld [smem:$0x3FB2]  }
0x39: {  	_ = 	snop;
	(pc) =	sbr.ind lr, $3  }
0x3a: {  	_ = 	snop  }
0x3b: {  	_ = 	snop  }
0x3c: {  	p2 =	seq.s32 s10, $0x1;
	s10 =	sld [smem:$0x3FB1]  }
0x3d: {  	_ =	shalt  }
0x3e: {  	_ =	shalt  }
0x3f: {  	_ =	shalt  }
0x40: {  	_ =	shalt  }
0x41: {  	_ =	shalt  }
0x42: {  	_ =	shalt  }
0x43: {  	_ =	shalt  }
0x44: {  	_ =	shalt  }
0x45: {  	_ =	shalt  }
0x46: {  	_ =	shalt  }
0x47: {  	_ =	shalt  }
0x48: {  	_ =	shalt  }
0x49: {  	_ =	shalt  }
0x4a: {  	_ =	shalt  }
0x4b: {  	_ =	shalt  }
0x4c: {  	_ =	shalt  }
0x4d: {  	_ =	shalt  }
0x4e: {  	_ =	shalt  }
0x4f: {  	_ =	shalt  }
0x50: {  	_ =	shalt  }
0x51: {  	_ =	shalt  }
0x52: {  	_ =	shalt  }
0x53: {  	_ =	shalt  }
0x54: {  	_ =	shalt  }
0x55: {  	_ =	shalt  }
0x56: {  	_ =	shalt  }
0x57: {  	_ =	shalt  }
0x58: {  	_ =	shalt  }
0x59: {  	_ =	shalt  }
0x5a: {  	_ =	shalt  }
0x5b: {  	_ =	shalt  }
0x5c: {  	_ =	shalt  }
0x5d: {  	_ =	shalt  }
0x5e: {  	_ =	shalt  }
0x5f: {  	_ =	shalt  }
0x60: {  	_ =	shalt  }
0x61: {  	_ =	shalt  }
0x62: {  	_ =	shalt  }
0x63: {  	_ =	shalt  }
0x64: {  	_ =	shalt  }
0x65: {  	_ =	shalt  }
0x66: {  	_ =	shalt  }
0x67: {  	_ =	shalt  }
0x68: {  	_ =	shalt  }
0x69: {  	_ =	shalt  }
0x6a: {  	_ =	shalt  }
0x6b: {  	_ =	shalt  }
0x6c: {  	_ =	shalt  }
0x6d: {  	_ =	shalt  }
0x6e: {  	_ =	shalt  }
0x6f: {  	_ =	shalt  }
0x70: {  	_ =	shalt  }
0x71: {  	_ =	shalt  }
0x72: {  	_ =	shalt  }
0x73: {  	_ =	shalt  }
0x74: {  	_ =	shalt  }
0x75: {  	_ =	shalt  }
0x76: {  	_ =	shalt  }
0x77: {  	_ =	shalt  }
0x78: {  	_ =	shalt  }
0x79: {  	_ =	shalt  }
0x7a: {  	_ =	shalt  }
0x7b: {  	_ =	shalt  }
0x7c: {  	_ =	shalt  }
0x7d: {  	_ =	shalt  }
0x7e: {  	_ =	shalt  }
0x7f: {  	_ =	shalt  }
0x80: {  	_ =	shalt  }
0x81: {  	_ =	shalt  }
0x82: {  	_ =	shalt  }
0x83: {  	_ =	shalt  }
0x84: {  	_ =	shalt  }
0x85: {  	_ =	shalt  }
0x86: {  	_ =	shalt  }
0x87: {  	_ =	shalt  }
.Lfunc_end0:
.L_simem_size_0:
called_computation.1_lowered:
.L_overlay_start_0:
0x88: {  	s2 =	sld [smem:$0x3FD9]  }
0x89: {  	s3 =	sld [smem:$0x3FFE];
	_ =	sdelay $0x1  }
0x8a: {  	s1 =	srdreg.scid  }
0x8b: {  	s0 =	sand.u32 $0x1, s1  }
0x8c: {  	s17 =	sshll.u32 s0, $0xA;
	s2 =	sadd.s32 s3, s2  }
0x8d: {  	s2 =	sadd.s32 s2, s17  }
0x8e: {  	[smem:$0x3FBD] =	sst s2  }
0x8f: {  	_ = 	snop  }
0x90: {  	s2 =	sld [smem:$0x3FD0];
	(tm) =	ssettm $0x1  }
0x91: {  	s18 =	sld [smem:$0x3FFB];
	_ =	sdelay $0x3  }
0x92: {  	_ =	strace s18  }
0x93: {  	s3 =	sld [smem:$0x3FFC];
	_ =	sdelay $0x3  }
0x94: {  	_ =	strace s3  }
0x95: {  	s3 =	sld [smem:$0x3FFD];
	_ =	sdelay $0x3  }
0x96: {  	_ =	strace s3  }
0x97: {  	_ =	strace $0x8FFFFFFF  }
0x98: {  	s19 =	sld [smem:$0x3FDB];
	_ =	sdelay $0x1  }
0x99: {  	s4 =	simm.s32 $_scs_section_size  }
0x9a: {  	s5 =	simm.s32 $_size__tile_overlayer_lowered;
	s6 =	simm.s32 $_tile_overlayer_lowered  }
0x9b: {  	s22 =	simm.s32 $0x1BFF;
	s21 =	sshll.u32 s6, $0x1;
	s3 =	sadd.s32 s4, s19  }
0x9c: {  	s7 =	simm.s32 $0x0;
	s20 =	sshll.u32 s5, $0x1;
	s5 =	sadd.s32 s21, s3  }
0x9d: {  	[timem:s7], [sflag:s22] =	dma.local [hbm:s5], s20  }
0x9e: {  	_ =	swait.ge [sflag:s22], s20  }
0x9f: {  	s4 =	ssub.s32 $0x0, s20;
	[sflag:s22] =	ssyncset.done $0x0  }
0xa0: {  	[sflag:s22] =	ssyncadd.s32 s4;
	_ =	sdelay $0x1  }
0xa1: {  	s23 =	simm.s32 $0x1B8B  }
0xa2: {  	_ =	swait.ge [sflag:s23], $0x1  }
0xa3: {  	[sflag:s23] =	ssyncset.done $0x0  }
0xa4: {  	s25 =	simm.s32 $0x1B8E;
	s24 =	sld [smem:$0x3FFE];
	[sflag:s23] =	ssyncadd.s32 $0xFFFFFFFF  }
0xa5: {  	s26 =	simm.s32 $execute0_lowered;
	[smem:$0x3FD2] =	sst s25  }
0xa6: {  	s5 =	sshll.u32 s26, $0x1;
	_ =	strace $0x80000049;
	[dreg:$0x1] =	wrdreg $0xFFFFFFFF  }
0xa7: {  	s28 =	simm.s32 $_size_execute0_lowered;
	s3 =	sadd.s32 s3, s5;
	[dreg:$0x0] =	wrdreg $0x0  }
0xa8: {  	s5 =	sshll.u32 s28, $0x1;
	[dreg:$0x2] =	wrdreg s3  }
0xa9: {  	[dreg:$0x3] =	wrdreg s5  }
0xaa: {  	[dreg:$0x4] =	wrdreg $0xC0  }
0xab: {  	_ =	task [dreg:s7], $0x5FFFF  }
0xac: {  	[dreg:$0x1] =	wrdreg $0xFFFFFFFF  }
0xad: {  	[dreg:$0x0] =	wrdreg $0x60  }
0xae: {  	[dreg:$0x2] =	wrdreg s24  }
0xaf: {  	[dreg:$0x3] =	wrdreg s2  }
0xb0: {  	[dreg:$0x4] =	wrdreg $0x6C200  }
0xb1: {  	[dreg:$0x5] =	wrdreg $0x9  }
0xb2: {  	_ =	task.clear_ibuf [dreg:s7], $0x6FFFF;
	_ =	strace $0x90000049  }
0xb3: {  	s29 =	simm.s32 $0x9;
	_ =	strace $0x8000004B  }
0xb4: {  	_ =	swait.ge [sflag:s29], $0x1  }
0xb5: {  	[sflag:s29] =	ssyncadd.s32 $0xFFFFFFFF  }
0xb6: {  	_ =	strace $0x9000004B  }
0xb7: {  	_ =	sfence  }
0xb8: {  	s30 =	sld [smem:$0x0];
	_ =	sdelay $0x2  }
0xb9: {  	s31 =	sshll.u32 s1, $0xD;
	s1 =	sshrl.u32 s1, $0x2  }
0xba: {  	s3 =	sand.u32 $0x4000, s31;
	s1 =	sadd.s32 s1, s30  }
0xbb: {  	s0 =	sor.u32 s3, s0;
	s1 =	sshll.u32 s1, $0x11  }
0xbc: {  	s0 =	sor.u32 s1, s0  }
0xbd: {  	s0 =	sadd.s32 $0x8F2B, s0  }
0xbe: {  	[sflag:s0] =	ssyncadd.remote.s32 $0x1  }
0xbf: {  	_ =	sfence.sel $0xFFFF  }
0xc0: {  	[dreg:$0x0] =	wrdreg $0xFFFFFFFF;
	(pc) =	sbr.abs _section_cstart, $3  }
0xc1: {  	[dreg:$0x1] =	wrdreg $0xFFFFFFFF  }
0xc2: {  	_ =	task.clear_ibuf [dreg:s7], $0x2FFFF;
	_ =	strace $0x9FFFFFFF  }
0xc3: {  	(tm) =	ssettm $0x7FFFFFFF  }
tec
execute0_lowered:
.L_overlay_start_1:
0x0: {  	(tag) =	ssettag $0x1  }
0x1: {  	s0 =	rddreg [dreg:$0x0]  }
0x2: {  	s1 =	rddreg [dreg:$0x1]  }
0x3: {  	s2 =	rddreg [dreg:$0x2]  }
0x4: {  	s3 =	simm.s32 $0x0;
	s4 =	srdreg.scid;
	s6 =	stileid.u32  }
0x5: {  	[smem:$0x7FF] =	sst s3;
	s5 =	sadd.s32 $0x502400, s0;
	s4 =	sand.u32 $0x1, s4  }
0x6: {  	s28 =	sadd.s32 $0x4F8600, s0;
	s8 =	sshll.u32 s6, $0x1;
	s10 =	smul.u32 $0x15F90, s6  }
0x7: {  	s13 =	smul.u32 $0x57E40, s6;
	_ =	strace $0x8000004A;
	[dreg:$0x4] =	wrdreg s5  }
0x8: {  	s7 =	sadd.s32 $0x273C00, s0;
	[dreg:$0x5] =	wrdreg s28;
	s29 =	smul.u32 $0x2BF20, s4  }
0x9: {  	s9 =	sor.u32 s4, s8;
	s4 =	ssub.s32 $0x2, s4;
	s10 =	sadd.s32 $0x15180, s10  }
0xa: {  	s11 =	smul.u32 $0x13880, s9;
	s15 =	sshrl.u32 s13, $0x2;
	s14 =	sadd.s32 s10, s2  }
0xb: {  	s30 =	sshrl.u32 s4, $0x1;
	s15 =	sadd.s32 s15, s2;
	[dreg:$0x6] =	wrdreg s14  }
0xc: {  	s4 =	ssub.s32 s4, s30;
	s12 =	sadd.s32 s7, s11;
	[dreg:$0x9] =	wrdreg s15  }
0xd: {  	s4 =	smax.u32 s4, $0x1;
	[dreg:$0x7] =	wrdreg s12  }
0xe: {  	s16 =	sadd.s32 $0x1680, s15;
	[dreg:$0x8] =	wrdreg s4  }
0xf: {  	s31 =	simm.s32 $0x0;
	s17 =	sadd.s32 $0x2D00, s15;
	[dreg:$0xa] =	wrdreg s16  }
0x10: {  	s21 =	smul.u32 $0x2BF2, s6;
	s18 =	sadd.s32 $0x4380, s15;
	[dreg:$0xb] =	wrdreg s17  }
0x11: {  	s6 =	simm.s32 $0x0;
	s19 =	sadd.s32 $0x5A00, s15;
	[dreg:$0xc] =	wrdreg s18  }
0x12: {  	s8 =	sadd.s32 $0x4E4C00, s0;
	s20 =	sadd.s32 $0x7080, s15;
	[dreg:$0xd] =	wrdreg s19  }
0x13: {  	s9 =	smul.u32 $0xFA, s9;
	s5 =	sadd.s32 $0x8700, s15;
	[dreg:$0xe] =	wrdreg s20  }
0x14: {  	s13 =	simm.s32 $0x28;
	s22 =	sadd.s32 $0x9D80, s15;
	[dreg:$0xf] =	wrdreg s5  }
0x15: {  	s0 =	sadd.s32 s29, s0;
	s23 =	sadd.s32 $0xB400, s15;
	[dreg:$0x10] =	wrdreg s22  }
0x16: {  	s10 =	sshrl.u32 s10, $0x3;
	s24 =	sadd.s32 $0xCA80, s15;
	[dreg:$0x11] =	wrdreg s23  }
0x17: {  	s0 =	sadd.s32 $0x2200, s0;
	s25 =	sadd.s32 $0xE100, s15;
	[dreg:$0x13] =	wrdreg s24  }
0x18: {  	s26 =	sadd.s32 $0xF780, s15;
	s28 =	sadd.s32 $0x10E00, s15;
	[dreg:$0x14] =	wrdreg s25  }
0x19: {  	s29 =	sadd.s32 $0x12480, s15;
	s30 =	sadd.s32 $0x13B00, s15;
	[dreg:$0x15] =	wrdreg s26  }
0x1a: {  	s11 =	simm.s32 $0x190;
	s12 =	sor.u32 $0x1, s9;
	[dreg:$0x16] =	wrdreg s28  }
0x1b: {  	s23 =	sadd.s32 s0, s21;
	s0 =	sadd.s32 s10, s0;
	[dreg:$0x17] =	wrdreg s29  }
0x1c: {  	[dreg:$0x18] =	wrdreg s30;
	s4 =	simm.s32 $0x7;
	s17 =	simm.s32 $0xD20  }
0x1d: {  	s19 =	simm.s32 $0x2120;
	s20 =	simm.s32 $0x1;
	s21 =	simm.s32 $0x3  }
0x1e: {  	v0 =	vimm.f32 $0.0e+00;
	vm0 =	vcmask $0x300;
	s22 =	simm.s32 $0x3520;
	s24 =	simm.s32 $0x2;
	s25 =	simm.s32 $0x4  }
0x1f: {  	v1 =	vsel vm0, $0x3F800000, v0;
	s26 =	simm.s32 $0x55A0;
	[dreg:$0x12] =	wrdreg s0;
	s0 =	simm.s32 $0x3F20  }
.LBB2_1:
0x20: {  	s5 =	simm.s32 $0x0;
	s10 =	simm.s32 $0x240  }
.LBB2_2:
0x21: {  	p0 =	sne.s32 s10, $0x57C0;
	[tilespmem:s5+$0x3FA0] =	vst v0  }
0x22: {  	[tilespmem:s5+$0x3F20] =	vst v0  }
0x23: {  	[tilespmem:s5+$0x3F30] =	vst v0  }
0x24: {  	[tilespmem:s5+$0x3F40] =	vst v0  }
.Ltmp0:
0x25: {  	[tilespmem:s5+$0x3F50] =	vst v0;
	(pc) =	sbr.rel @p0 .LBB2_2-.Ltmp0, $4  }
0x26: {  	[tilespmem:s5+$0x3F60] =	vst v0  }
0x27: {  	[tilespmem:s5+$0x3F70] =	vst v0  }
0x28: {  	[tilespmem:s5+$0x3F80] =	vst v0  }
0x29: {  	[tilespmem:s5+$0x3F90] =	vst v0;
	s5 =	sshra.s32 s10, $0x2;
	s10 =	sadd.s32 $0x240, s10  }
0x2a: {  	[tilespmem:s5+$0x3FA0] =	vst v0  }
0x2b: {  	[tilespmem:s5+$0x3F20] =	vst v0  }
0x2c: {  	[tilespmem:s5+$0x3F30] =	vst v0  }
0x2d: {  	[tilespmem:s5+$0x3F40] =	vst v0  }
0x2e: {  	[tilespmem:s5+$0x3F50] =	vst v0  }
0x2f: {  	[tilespmem:s5+$0x3F60] =	vst v0  }
0x30: {  	[tilespmem:s5+$0x3F70] =	vst v0  }
0x31: {  	[tilespmem:s5+$0x3F80] =	vst v0  }
0x32: {  	[dreg:$0x19] =	wrdreg s6;
	[tilespmem:s5+$0x3F90] =	vst v0  }
0x33: {  	[spmem:s15] =	stream.linear.scatter [tilespmem:s0], [sflag:$0x7], $0x1680, $0x38;
	[tilespmem:$0x1CBB0] =	vst v63  }
0x34: {  	_ =	swait.ge [sflag:s4], $0x1680  }
0x35: {  	[sflag:s4] =	ssyncset.done $0x0  }
0x36: {  	s15 =	rddreg [dreg:$0xa];
	[sflag:s4] =	ssyncadd.s32 $0xFFFFE980  }
0x37: {  	[spmem:s15] =	stream.linear.scatter [tilespmem:s0], [sflag:$0x7], $0x1680, $0x38;
	[tilespmem:$0x1CBB0] =	vst v63  }
0x38: {  	_ =	swait.ge [sflag:s4], $0x1680  }
0x39: {  	[sflag:s4] =	ssyncset.done $0x0  }
0x3a: {  	s16 =	rddreg [dreg:$0xb];
	[sflag:s4] =	ssyncadd.s32 $0xFFFFE980  }
0x3b: {  	[spmem:s16] =	stream.linear.scatter [tilespmem:s0], [sflag:$0x7], $0x1680, $0x38;
	[tilespmem:$0x1CBB0] =	vst v63  }
0x3c: {  	_ =	swait.ge [sflag:s4], $0x1680  }
0x3d: {  	[sflag:s4] =	ssyncset.done $0x0  }
0x3e: {  	s18 =	rddreg [dreg:$0xc];
	[sflag:s4] =	ssyncadd.s32 $0xFFFFE980  }
0x3f: {  	[spmem:s18] =	stream.linear.scatter [tilespmem:s0], [sflag:$0x7], $0x1680, $0x38;
	[tilespmem:$0x1CBB0] =	vst v63  }
0x40: {  	_ =	swait.ge [sflag:s4], $0x1680  }
0x41: {  	[sflag:s4] =	ssyncset.done $0x0  }
0x42: {  	s28 =	rddreg [dreg:$0xd];
	[sflag:s4] =	ssyncadd.s32 $0xFFFFE980  }
0x43: {  	[spmem:s28] =	stream.linear.scatter [tilespmem:s0], [sflag:$0x7], $0x1680, $0x38;
	[tilespmem:$0x1CBB0] =	vst v63  }
0x44: {  	_ =	swait.ge [sflag:s4], $0x1680  }
0x45: {  	[sflag:s4] =	ssyncset.done $0x0  }
0x46: {  	s29 =	rddreg [dreg:$0xe];
	[sflag:s4] =	ssyncadd.s32 $0xFFFFE980  }
0x47: {  	[spmem:s29] =	stream.linear.scatter [tilespmem:s0], [sflag:$0x7], $0x1680, $0x38;
	[tilespmem:$0x1CBB0] =	vst v63  }
0x48: {  	_ =	swait.ge [sflag:s4], $0x1680  }
0x49: {  	[sflag:s4] =	ssyncset.done $0x0  }
0x4a: {  	s30 =	rddreg [dreg:$0xf];
	[sflag:s4] =	ssyncadd.s32 $0xFFFFE980  }
0x4b: {  	[spmem:s30] =	stream.linear.scatter [tilespmem:s0], [sflag:$0x7], $0x1680, $0x38;
	[tilespmem:$0x1CBB0] =	vst v63  }
0x4c: {  	_ =	swait.ge [sflag:s4], $0x1680  }
0x4d: {  	[sflag:s4] =	ssyncset.done $0x0  }
0x4e: {  	s6 =	rddreg [dreg:$0x10];
	[sflag:s4] =	ssyncadd.s32 $0xFFFFE980  }
0x4f: {  	[spmem:s6] =	stream.linear.scatter [tilespmem:s0], [sflag:$0x7], $0x1680, $0x38;
	[tilespmem:$0x1CBB0] =	vst v63  }
0x50: {  	_ =	swait.ge [sflag:s4], $0x1680  }
0x51: {  	[sflag:s4] =	ssyncset.done $0x0  }
0x52: {  	s10 =	rddreg [dreg:$0x11];
	[sflag:s4] =	ssyncadd.s32 $0xFFFFE980  }
0x53: {  	[spmem:s10] =	stream.linear.scatter [tilespmem:s0], [sflag:$0x7], $0x1680, $0x38;
	[tilespmem:$0x1CBB0] =	vst v63  }
0x54: {  	_ =	swait.ge [sflag:s4], $0x1680  }
0x55: {  	[sflag:s4] =	ssyncset.done $0x0  }
0x56: {  	s15 =	rddreg [dreg:$0x13];
	[sflag:s4] =	ssyncadd.s32 $0xFFFFE980  }
0x57: {  	[spmem:s15] =	stream.linear.scatter [tilespmem:s0], [sflag:$0x7], $0x1680, $0x38;
	[tilespmem:$0x1CBB0] =	vst v63  }
0x58: {  	_ =	swait.ge [sflag:s4], $0x1680  }
0x59: {  	[sflag:s4] =	ssyncset.done $0x0  }
0x5a: {  	s16 =	rddreg [dreg:$0x14];
	[sflag:s4] =	ssyncadd.s32 $0xFFFFE980  }
0x5b: {  	[spmem:s16] =	stream.linear.scatter [tilespmem:s0], [sflag:$0x7], $0x1680, $0x38;
	[tilespmem:$0x1CBB0] =	vst v63  }
0x5c: {  	_ =	swait.ge [sflag:s4], $0x1680  }
0x5d: {  	[sflag:s4] =	ssyncset.done $0x0  }
0x5e: {  	s18 =	rddreg [dreg:$0x15];
	[sflag:s4] =	ssyncadd.s32 $0xFFFFE980  }
0x5f: {  	[spmem:s18] =	stream.linear.scatter [tilespmem:s0], [sflag:$0x7], $0x1680, $0x38;
	[tilespmem:$0x1CBB0] =	vst v63  }
0x60: {  	_ =	swait.ge [sflag:s4], $0x1680  }
0x61: {  	[sflag:s4] =	ssyncset.done $0x0  }
0x62: {  	s28 =	rddreg [dreg:$0x16];
	[sflag:s4] =	ssyncadd.s32 $0xFFFFE980  }
0x63: {  	[spmem:s28] =	stream.linear.scatter [tilespmem:s0], [sflag:$0x7], $0x1680, $0x38;
	[tilespmem:$0x1CBB0] =	vst v63  }
0x64: {  	_ =	swait.ge [sflag:s4], $0x1680  }
0x65: {  	[sflag:s4] =	ssyncset.done $0x0  }
0x66: {  	s29 =	rddreg [dreg:$0x17];
	[sflag:s4] =	ssyncadd.s32 $0xFFFFE980  }
0x67: {  	[spmem:s29] =	stream.linear.scatter [tilespmem:s0], [sflag:$0x7], $0x1680, $0x38;
	[tilespmem:$0x1CBB0] =	vst v63  }
0x68: {  	_ =	swait.ge [sflag:s4], $0x1680  }
0x69: {  	[sflag:s4] =	ssyncset.done $0x0  }
0x6a: {  	s30 =	rddreg [dreg:$0x18];
	[sflag:s4] =	ssyncadd.s32 $0xFFFFE980  }
0x6b: {  	[spmem:s30] =	stream.linear.scatter [tilespmem:s0], [sflag:$0x7], $0x1680, $0x38;
	[tilespmem:$0x1CBB0] =	vst v63  }
0x6c: {  	_ =	swait.ge [sflag:s4], $0x1680  }
0x6d: {  	[sflag:s4] =	ssyncset.done $0x0  }
0x6e: {  	[sflag:s4] =	ssyncadd.s32 $0xFFFFE980  }
0x6f: {  	[spmem:s14] =	stream.linear.scatter [tilespmem:s0], [sflag:$0x7], $0xE10, $0x38;
	[tilespmem:$0x1CBB0] =	vst v63  }
0x70: {  	_ =	swait.ge [sflag:s4], $0xE10  }
0x71: {  	[sflag:s4] =	ssyncset.done $0x0  }
0x72: {  	s5 =	simm.s32 $0x440;
	s10 =	simm.s32 $0x80;
	[sflag:s4] =	ssyncadd.s32 $0xFFFFF1F0  }
.LBB2_4:
0x73: {  	p0 =	sne.s32 s5, $0x59C0;
	[tilespmem:s10+$0x3F20] =	vst v1;
	s14 =	smov.u32 s5;
	s5 =	sadd.s32 $0x240, s5  }
.Ltmp1:
0x74: {  	[tilespmem:s10+$0x55A0] =	vst v1;
	(pc) =	sbr.rel @p0 .LBB2_4-.Ltmp1, $2  }
0x75: {  	_ =	sdelay $0x2  }
0x76: {  	s10 =	sshra.s32 s14, $0x2  }
.Ltmp2:
0x77: {  	[tilespmem:s10+$0x3F20] =	vst v1;
	(pc) =	sbr.rel .LBB2_6-.Ltmp2, $4  }
0x78: {  	[tilespmem:s10+$0x55A0] =	vst v1  }
0x79: {  	[bflag:$0x0] =	sbarrier.arrive $0xFFFF  }
0x7a: {  	s6 =	simm.s32 $0x2B20;
	s28 =	simm.s32 $0x0;
	s5 =	rddreg [dreg:$0x7]  }
0x7b: {  	[tilespmem:s6], [sflag:$0x3] =	stream.linear.gather [hbm4b:s5+s31], $0xA00, $0x38;
	[tilespmem:$0x1CBB0] =	vst v63  }
.LBB2_13:
0x7c: {  	s28 =	sadd.s32 $0x1, s28  }
0x7d: {  	p0 =	sne.s32 s28, $0x19  }
.Ltmp3:
0x7e: {  	_ = 	snop;
	(pc) =	sbr.rel @!p0 .LBB2_14-.Ltmp3, $1  }
0x7f: {  	_ =	sdelay $0x3  }
.LBB2_6:
0x80: {  	p0 =	seq.s32 s28, $0x0  }
0x81: {  	s5 =	simm.s32 @!p0 $0x5  }
0x82: {  	s29 =	smul.u32 $0xA, s28;
	_ =	swait.ge @!p0 [sflag:s5], $0x1680  }
0x83: {  	[sflag:s5] =	ssyncset.done @!p0 $0x0  }
0x84: {  	s10 =	sadd.s32 s9, s29;
	[sflag:s5] =	ssyncadd.s32 @!p0 $0xFFFFE980;
	s5 =	simm.s32 @!p0 $0x6  }
0x85: {  	s10 =	smul.u32 $0x5, s10;
	_ =	swait.ge @!p0 [sflag:s5], $0x1680  }
0x86: {  	[sflag:s5] =	ssyncset.done @!p0 $0x0;
	s14 =	rddreg [dreg:$0x4]  }
0x87: {  	[sflag:s5] =	ssyncadd.s32 @!p0 $0xFFFFE980;
	s5 =	sadd.s32 s14, s10  }
0x88: {  	[tilespmem:s31], [sflag:$0x7] =	stream.linear.gather [hbm4b:s5+s31], $0x190, $0x38;
	[tilespmem:$0x1CBB0] =	vst v63  }
0x89: {  	_ =	swait.ge [sflag:s4], $0x190  }
0x8a: {  	[sflag:s4] =	ssyncset.done $0x0;
	s15 =	rddreg [dreg:$0x5]  }
0x8b: {  	[sflag:s4] =	ssyncadd.s32 $0xFFFFFE70;
	s5 =	sadd.s32 s15, s10  }
0x8c: {  	[tilespmem:s11], [sflag:$0x7] =	stream.linear.gather [hbm4b:s5+s31], $0x190, $0x38;
	[tilespmem:$0x1CBB0] =	vst v63  }
0x8d: {  	_ =	swait.ge [sflag:s4], $0x190  }
0x8e: {  	[sflag:s4] =	ssyncset.done $0x0  }
0x8f: {  	s16 =	simm.s32 $0x320;
	[sflag:s4] =	ssyncadd.s32 $0xFFFFFE70  }
0x90: {  	[tilespmem:s16], [sflag:$0x1] =	stream.indirect.gather [hbm4b:s1+s13], $0x40, s31, s13, $0xb8;
	[tilespmem:$0x1CBB0] =	vst v63  }
0x91: {  	s18 =	simm.s32 $0x1720  }
0x92: {  	[tilespmem:s18], [sflag:$0x1] =	stream.indirect.gather [hbm4b:s8+s13], $0x40, s11, s13, $0xb8;
	[tilespmem:$0x1CBB0] =	vst v63  }
0x93: {  	_ = 	snop  }
0x94: {  	[tilespmem:s17], [sflag:$0x2] =	stream.indirect.gather [hbm4b:s1+s13], $0x40, s13, s13, $0xb8;
	[tilespmem:$0x1CBB0] =	vst v63  }
0x95: {  	s30 =	simm.s32 $0x1B8;
	s14 =	simm.s32 $0x0;
	s10 =	sadd.s32 s12, s29  }
0x96: {  	[tilespmem:s19], [sflag:$0x2] =	stream.indirect.gather [hbm4b:s8+s13], $0x40, s30, s13, $0xb8;
	[tilespmem:$0x1CBB0] =	vst v63  }
.LBB2_7:
0x97: {  	_ =	swait.ge [sflag:s20], $0xA00  }
0x98: {  	[sflag:s20] =	ssyncset.done $0x0  }
0x99: {  	[sflag:s20] =	ssyncadd.s32 $0xFFFFF600  }
0x9a: {  	_ =	swait.ge [sflag:s20], $0xA00  }
0x9b: {  	s30 =	sshll.u32 s14, $0x1;
	[sflag:s20] =	ssyncset.done $0x0  }
0x9c: {  	s5 =	sadd.s32 s10, s30;
	[sflag:s20] =	ssyncadd.s32 $0xFFFFF600  }
0x9d: {  	s5 =	smul.u32 $0x140, s5;
	_ =	swait.ge [sflag:s21], $0xA00  }
0x9e: {  	[sflag:s21] =	ssyncset.done $0x0  }
0x9f: {  	p0 =	seq.s32 s14, $0x0;
	s5 =	sadd.s32 s7, s5;
	[sflag:s21] =	ssyncadd.s32 $0xFFFFF600  }
0xa0: {  	[tilespmem:s22], [sflag:$0x4] =	stream.linear.gather [hbm4b:s5+s3], $0xA00, $0x38;
	[tilespmem:$0x1CBB0] =	vst v63  }
0xa1: {  	s5 =	simm.s32 @!p0 $0x5  }
0xa2: {  	_ =	swait.ge @!p0 [sflag:s5], $0x1680  }
0xa3: {  	[sflag:s5] =	ssyncset.done @!p0 $0x0  }
0xa4: {  	s15 =	simm.s32 $0x0;
	[sflag:s5] =	ssyncadd.s32 @!p0 $0xFFFFE980  }
0xa5: {  	v2 =	vld [tilespmem:s15+$0x320]  }
0xa6: {  	v3 =	vld [tilespmem:s15+$0x1720];
	_ =	sdelay $0x1  }
0xa7: {  	v4 =	vld [tilespmem:s15+$0x2B20];
	_ =	sdelay $0x2  }
0xa8: {  	v5 =	vshll.u32 v2, $0x10;
	v6 =	vshll.u32 v3, $0x10  }
0xa9: {  	v2 =	vand.u32 $0xFFFF0000, v2;
	v3 =	vand.u32 $0xFFFF0000, v3;
	v5 =	vadd.f32 v6, v5  }
0xaa: {  	v2 =	vadd.f32 v3, v2;
	v3 =	vshll.u32 v4, $0x10  }
0xab: {  	v4 =	vand.u32 $0xFFFF0000, v4;
	v3 =	vadd.f32 v3, v5  }
0xac: {  	v2 =	vadd.f32 v4, v2  }
0xad: {  	s16 =	simm.s32 $0x3F60;
	v3 =	vmax.f32 v3, $0.0e+00  }
0xae: {  	v2 =	vmax.f32 v2, $0.0e+00;
	[tilespmem:s16+$0xFFFFFFC0] =	vst v3  }
0xaf: {  	[tilespmem:s16+$0xFFFFFFD0] =	vst v2  }
0xb0: {  	v2 =	vld [tilespmem:s15+$0x330]  }
0xb1: {  	v3 =	vld [tilespmem:s15+$0x1730];
	_ =	sdelay $0x1  }
0xb2: {  	v58 =	vld [tilespmem:s15+$0x2B30];
	_ =	sdelay $0x2  }
0xb3: {  	v59 =	vshll.u32 v2, $0x10;
	v60 =	vshll.u32 v3, $0x10  }
0xb4: {  	v2 =	vand.u32 $0xFFFF0000, v2;
	v3 =	vand.u32 $0xFFFF0000, v3;
	v5 =	vadd.f32 v60, v59  }
0xb5: {  	v2 =	vadd.f32 v3, v2;
	v3 =	vshll.u32 v58, $0x10  }
0xb6: {  	v4 =	vand.u32 $0xFFFF0000, v58;
	v3 =	vadd.f32 v3, v5  }
0xb7: {  	v2 =	vadd.f32 v4, v2  }
0xb8: {  	v3 =	vmax.f32 v3, $0.0e+00  }
0xb9: {  	v2 =	vmax.f32 v2, $0.0e+00;
	[tilespmem:s16+$0xFFFFFFE0] =	vst v3  }
0xba: {  	[tilespmem:s16+$0xFFFFFFF0] =	vst v2  }
0xbb: {  	v2 =	vld [tilespmem:s15+$0x340]  }
0xbc: {  	v3 =	vld [tilespmem:s15+$0x1740];
	_ =	sdelay $0x1  }
0xbd: {  	v61 =	vld [tilespmem:s15+$0x2B40];
	_ =	sdelay $0x2  }
0xbe: {  	v62 =	vshll.u32 v2, $0x10;
	v63 =	vshll.u32 v3, $0x10  }
0xbf: {  	v2 =	vand.u32 $0xFFFF0000, v2;
	v3 =	vand.u32 $0xFFFF0000, v3;
	v5 =	vadd.f32 v63, v62  }
0xc0: {  	v2 =	vadd.f32 v3, v2;
	v3 =	vshll.u32 v61, $0x10  }
0xc1: {  	v4 =	vand.u32 $0xFFFF0000, v61;
	v3 =	vadd.f32 v3, v5  }
0xc2: {  	v2 =	vadd.f32 v4, v2  }
0xc3: {  	v3 =	vmax.f32 v3, $0.0e+00  }
0xc4: {  	v2 =	vmax.f32 v2, $0.0e+00;
	[tilespmem:s16+$0x0] =	vst v3  }
0xc5: {  	[tilespmem:s16+$0x10] =	vst v2  }
0xc6: {  	s18 =	simm.s32 $0x3F60;
	s5 =	simm.s32 $0x100;
	v2 =	vld [tilespmem:s15+$0x350]  }
.LBB2_8:
0xc7: {  	p1 =	sne.s32 s5, $0x2700  }
0xc8: {  	v3 =	vld [tilespmem:s15+$0x1750];
	s16 =	sadd.s32 $0x90, s16;
	s6 =	smov.u32 s5;
	s5 =	sadd.s32 $0x100, s5  }
0xc9: {  	v4 =	vld [tilespmem:s15+$0x2B50];
	_ =	sdelay $0x2  }
0xca: {  	v5 =	vand.u32 $0xFFFF0000, v2  }
0xcb: {  	v2 =	vshll.u32 v2, $0x10;
	v6 =	vshll.u32 v3, $0x10;
	v3 =	vand.u32 $0xFFFF0000, v3  }
0xcc: {  	v2 =	vadd.f32 v6, v2;
	v3 =	vadd.f32 v3, v5  }
0xcd: {  	v5 =	vshll.u32 v4, $0x10;
	v4 =	vand.u32 $0xFFFF0000, v4  }
0xce: {  	s15 =	sshra.s32 s6, $0x2;
	v2 =	vadd.f32 v5, v2;
	v3 =	vadd.f32 v4, v3;
	_ =	sdelay $0x1  }
0xcf: {  	v2 =	vmax.f32 v2, $0.0e+00;
	v3 =	vmax.f32 v3, $0.0e+00  }
0xd0: {  	[tilespmem:s18+$0x20] =	vst v2  }
0xd1: {  	[tilespmem:s18+$0x30] =	vst v3;
	s18 =	smov.u32 s16  }
0xd2: {  	v2 =	vld [tilespmem:s15+$0x320]  }
0xd3: {  	v3 =	vld [tilespmem:s15+$0x1720]  }
0xd4: {  	v4 =	vld [tilespmem:s15+$0x2B20];
	_ =	sdelay $0x2  }
0xd5: {  	v5 =	vshll.u32 v2, $0x10  }
0xd6: {  	v2 =	vand.u32 $0xFFFF0000, v2;
	v6 =	vshll.u32 v3, $0x10;
	v3 =	vand.u32 $0xFFFF0000, v3  }
0xd7: {  	v5 =	vadd.f32 v6, v5;
	v2 =	vadd.f32 v3, v2;
	v3 =	vand.u32 $0xFFFF0000, v4  }
0xd8: {  	v4 =	vshll.u32 v4, $0x10  }
0xd9: {  	v4 =	vadd.f32 v4, v5;
	v2 =	vadd.f32 v3, v2;
	_ =	sdelay $0x1  }
0xda: {  	v3 =	vmax.f32 v4, $0.0e+00;
	v2 =	vmax.f32 v2, $0.0e+00  }
0xdb: {  	[tilespmem:s16+$0xFFFFFFC0] =	vst v3  }
0xdc: {  	[tilespmem:s16+$0xFFFFFFD0] =	vst v2  }
0xdd: {  	v2 =	vld [tilespmem:s15+$0x330]  }
0xde: {  	v3 =	vld [tilespmem:s15+$0x1730];
	_ =	sdelay $0x1  }
0xdf: {  	v4 =	vld [tilespmem:s15+$0x2B30];
	_ =	sdelay $0x1  }
0xe0: {  	v5 =	vshll.u32 v2, $0x10  }
0xe1: {  	v2 =	vand.u32 $0xFFFF0000, v2;
	v6 =	vshll.u32 v3, $0x10;
	v3 =	vand.u32 $0xFFFF0000, v3  }
0xe2: {  	v5 =	vadd.f32 v6, v5;
	v2 =	vadd.f32 v3, v2  }
0xe3: {  	v3 =	vshll.u32 v4, $0x10;
	v4 =	vand.u32 $0xFFFF0000, v4  }
0xe4: {  	v3 =	vadd.f32 v3, v5;
	v2 =	vadd.f32 v4, v2;
	_ =	sdelay $0x1  }
0xe5: {  	v3 =	vmax.f32 v3, $0.0e+00;
	v2 =	vmax.f32 v2, $0.0e+00  }
0xe6: {  	[tilespmem:s16+$0xFFFFFFE0] =	vst v3  }
0xe7: {  	[tilespmem:s16+$0xFFFFFFF0] =	vst v2  }
0xe8: {  	v2 =	vld [tilespmem:s15+$0x340]  }
0xe9: {  	v3 =	vld [tilespmem:s15+$0x1740]  }
0xea: {  	v4 =	vld [tilespmem:s15+$0x2B40];
	_ =	sdelay $0x2  }
0xeb: {  	v5 =	vshll.u32 v2, $0x10;
	v2 =	vand.u32 $0xFFFF0000, v2  }
0xec: {  	v6 =	vshll.u32 v3, $0x10;
	v3 =	vand.u32 $0xFFFF0000, v3  }
0xed: {  	v5 =	vadd.f32 v6, v5;
	v2 =	vadd.f32 v3, v2  }
0xee: {  	v3 =	vshll.u32 v4, $0x10;
	v4 =	vand.u32 $0xFFFF0000, v4  }
0xef: {  	v3 =	vadd.f32 v3, v5;
	v2 =	vadd.f32 v4, v2  }
.Ltmp4:
0xf0: {  	(pc) =	sbr.rel @p1 .LBB2_8-.Ltmp4, $4  }
0xf1: {  	v3 =	vmax.f32 v3, $0.0e+00;
	v2 =	vmax.f32 v2, $0.0e+00  }
0xf2: {  	[tilespmem:s16+$0x0] =	vst v3  }
0xf3: {  	[tilespmem:s16+$0x10] =	vst v2  }
0xf4: {  	v2 =	vld [tilespmem:s15+$0x350]  }
0xf5: {  	v3 =	vld [tilespmem:s15+$0x1750];
	_ =	sdelay $0x1  }
0xf6: {  	v4 =	vld [tilespmem:s15+$0x2B50];
	_ =	sdelay $0x2  }
0xf7: {  	v5 =	vshll.u32 v2, $0x10;
	v6 =	vshll.u32 v3, $0x10  }
0xf8: {  	v2 =	vand.u32 $0xFFFF0000, v2;
	v3 =	vand.u32 $0xFFFF0000, v3;
	v5 =	vadd.f32 v6, v5  }
0xf9: {  	v2 =	vadd.f32 v3, v2;
	v3 =	vshll.u32 v4, $0x10  }
0xfa: {  	v4 =	vand.u32 $0xFFFF0000, v4;
	v3 =	vadd.f32 v3, v5  }
0xfb: {  	s5 =	smul.u32 $0x140, s14;
	v2 =	vadd.f32 v4, v2  }
0xfc: {  	v3 =	vmax.f32 v3, $0.0e+00  }
0xfd: {  	p1 =	seq.s32 s14, $0x4;
	s5 =	sshra.s32 s5, $0x2;
	v2 =	vmax.f32 v2, $0.0e+00;
	[tilespmem:s18+$0x20] =	vst v3  }
0xfe: {  	s6 =	smul.u32 @!p1 $0x50, s14;
	s5 =	sadd.s32 $0x190, s5;
	[tilespmem:s18+$0x30] =	vst v2  }
0xff: {  	[spmem:s2] =	stream.indirect.scatter.add.f32 [tilespmem:s0], [sflag:$0x5], $0x90, s5, s13, $0xb8;
	[tilespmem:$0x1CBB0] =	vst v63  }
0x100: {  	s15 =	simm.s32 @!p1 $0x28;
	s16 =	simm.s32 @!p1 $0x320;
	s5 =	sadd.s32 @!p1 $0x50, s6  }
0x101: {  	[tilespmem:s16], [sflag:$0x1] =	stream.indirect.gather @!p1 [hbm4b:s1+s15], $0x40, s5, s15, $0xb8;
	[tilespmem:$0x1CBB0] =	vst v63  }
0x102: {  	s5 =	sadd.s32 @!p1 $0x1E0, s6;
	s6 =	simm.s32 @!p1 $0x1720  }
0x103: {  	[tilespmem:s6], [sflag:$0x1] =	stream.indirect.gather @!p1 [hbm4b:s8+s15], $0x40, s5, s15, $0xb8;
	[tilespmem:$0x1CBB0] =	vst v63  }
0x104: {  	_ =	swait.ge [sflag:s24], $0xA00  }
0x105: {  	[sflag:s24] =	ssyncset.done $0x0  }
0x106: {  	s30 =	sor.u32 $0x1, s30;
	[sflag:s24] =	ssyncadd.s32 $0xFFFFF600  }
0x107: {  	s5 =	sadd.s32 s29, s30;
	_ =	swait.ge [sflag:s24], $0xA00  }
0x108: {  	p2 =	sgt.u32 s5, $0xF8;
	[sflag:s24] =	ssyncset.done $0x0  }
0x109: {  	s5 =	sadd.s32 @!p2 s5, s12;
	[sflag:s24] =	ssyncadd.s32 $0xFFFFF600  }
0x10a: {  	s5 =	smul.u32 @!p2 $0x140, s5;
	_ =	swait.ge [sflag:s25], $0xA00  }
0x10b: {  	s6 =	simm.s32 @!p2 $0x0;
	[sflag:s25] =	ssyncset.done $0x0  }
0x10c: {  	s15 =	simm.s32 @!p2 $0x2B20;
	s5 =	sadd.s32 @!p2 s7, s5;
	[sflag:s25] =	ssyncadd.s32 $0xFFFFF600  }
0x10d: {  	[tilespmem:s15], [sflag:$0x3] =	stream.linear.gather @!p2 [hbm4b:s5+s6], $0xA00, $0x38;
	[tilespmem:$0x1CBB0] =	vst v63  }
0x10e: {  	s5 =	simm.s32 @!p0 $0x6  }
0x10f: {  	_ =	swait.ge @!p0 [sflag:s5], $0x1680  }
0x110: {  	[sflag:s5] =	ssyncset.done @!p0 $0x0  }
0x111: {  	s15 =	simm.s32 $0x0;
	[sflag:s5] =	ssyncadd.s32 @!p0 $0xFFFFE980  }
0x112: {  	v2 =	vld [tilespmem:s15+$0xD20]  }
0x113: {  	v3 =	vld [tilespmem:s15+$0x2120];
	_ =	sdelay $0x1  }
0x114: {  	v55 =	vld [tilespmem:s15+$0x3520];
	_ =	sdelay $0x2  }
0x115: {  	v56 =	vshll.u32 v2, $0x10;
	v57 =	vshll.u32 v3, $0x10  }
0x116: {  	v2 =	vand.u32 $0xFFFF0000, v2;
	v3 =	vand.u32 $0xFFFF0000, v3;
	v5 =	vadd.f32 v57, v56  }
0x117: {  	v2 =	vadd.f32 v3, v2;
	v3 =	vshll.u32 v55, $0x10  }
0x118: {  	v4 =	vand.u32 $0xFFFF0000, v55;
	v3 =	vadd.f32 v3, v5  }
0x119: {  	v2 =	vadd.f32 v4, v2  }
0x11a: {  	s16 =	simm.s32 $0x55E0;
	v3 =	vmax.f32 v3, $0.0e+00  }
0x11b: {  	v2 =	vmax.f32 v2, $0.0e+00;
	[tilespmem:s16+$0xFFFFFFC0] =	vst v3  }
0x11c: {  	[tilespmem:s16+$0xFFFFFFD0] =	vst v2  }
0x11d: {  	v2 =	vld [tilespmem:s15+$0xD30]  }
0x11e: {  	v3 =	vld [tilespmem:s15+$0x2130];
	_ =	sdelay $0x1  }
0x11f: {  	v58 =	vld [tilespmem:s15+$0x3530];
	_ =	sdelay $0x2  }
0x120: {  	v59 =	vshll.u32 v2, $0x10;
	v60 =	vshll.u32 v3, $0x10  }
0x121: {  	v2 =	vand.u32 $0xFFFF0000, v2;
	v3 =	vand.u32 $0xFFFF0000, v3;
	v5 =	vadd.f32 v60, v59  }
0x122: {  	v2 =	vadd.f32 v3, v2;
	v3 =	vshll.u32 v58, $0x10  }
0x123: {  	v4 =	vand.u32 $0xFFFF0000, v58;
	v3 =	vadd.f32 v3, v5  }
0x124: {  	v2 =	vadd.f32 v4, v2  }
0x125: {  	v3 =	vmax.f32 v3, $0.0e+00  }
0x126: {  	v2 =	vmax.f32 v2, $0.0e+00;
	[tilespmem:s16+$0xFFFFFFE0] =	vst v3  }
0x127: {  	[tilespmem:s16+$0xFFFFFFF0] =	vst v2  }
0x128: {  	v2 =	vld [tilespmem:s15+$0xD40]  }
0x129: {  	v3 =	vld [tilespmem:s15+$0x2140];
	_ =	sdelay $0x1  }
0x12a: {  	v61 =	vld [tilespmem:s15+$0x3540];
	_ =	sdelay $0x2  }
0x12b: {  	v62 =	vshll.u32 v2, $0x10;
	v63 =	vshll.u32 v3, $0x10  }
0x12c: {  	v2 =	vand.u32 $0xFFFF0000, v2;
	v3 =	vand.u32 $0xFFFF0000, v3;
	v5 =	vadd.f32 v63, v62  }
0x12d: {  	v2 =	vadd.f32 v3, v2;
	v3 =	vshll.u32 v61, $0x10  }
0x12e: {  	v4 =	vand.u32 $0xFFFF0000, v61;
	v3 =	vadd.f32 v3, v5  }
0x12f: {  	v2 =	vadd.f32 v4, v2  }
0x130: {  	v3 =	vmax.f32 v3, $0.0e+00  }
0x131: {  	v2 =	vmax.f32 v2, $0.0e+00;
	[tilespmem:s16+$0x0] =	vst v3  }
0x132: {  	[tilespmem:s16+$0x10] =	vst v2  }
0x133: {  	s18 =	simm.s32 $0x55E0;
	s5 =	simm.s32 $0x100;
	v2 =	vld [tilespmem:s15+$0xD50]  }
.LBB2_10:
0x134: {  	p0 =	sne.s32 s5, $0x2700  }
0x135: {  	v3 =	vld [tilespmem:s15+$0x2150];
	s16 =	sadd.s32 $0x90, s16;
	s6 =	smov.u32 s5;
	s5 =	sadd.s32 $0x100, s5  }
0x136: {  	v4 =	vld [tilespmem:s15+$0x3550];
	_ =	sdelay $0x2  }
0x137: {  	v5 =	vand.u32 $0xFFFF0000, v2  }
0x138: {  	v2 =	vshll.u32 v2, $0x10;
	v6 =	vshll.u32 v3, $0x10;
	v3 =	vand.u32 $0xFFFF0000, v3  }
0x139: {  	v2 =	vadd.f32 v6, v2;
	v3 =	vadd.f32 v3, v5  }
0x13a: {  	v5 =	vshll.u32 v4, $0x10;
	v4 =	vand.u32 $0xFFFF0000, v4  }
0x13b: {  	s15 =	sshra.s32 s6, $0x2;
	v2 =	vadd.f32 v5, v2;
	v3 =	vadd.f32 v4, v3;
	_ =	sdelay $0x1  }
0x13c: {  	v2 =	vmax.f32 v2, $0.0e+00;
	v3 =	vmax.f32 v3, $0.0e+00  }
0x13d: {  	[tilespmem:s18+$0x20] =	vst v2  }
0x13e: {  	[tilespmem:s18+$0x30] =	vst v3;
	s18 =	smov.u32 s16  }
0x13f: {  	v2 =	vld [tilespmem:s15+$0xD20]  }
0x140: {  	v3 =	vld [tilespmem:s15+$0x2120]  }
0x141: {  	v4 =	vld [tilespmem:s15+$0x3520];
	_ =	sdelay $0x2  }
0x142: {  	v5 =	vshll.u32 v2, $0x10  }
0x143: {  	v2 =	vand.u32 $0xFFFF0000, v2;
	v6 =	vshll.u32 v3, $0x10;
	v3 =	vand.u32 $0xFFFF0000, v3  }
0x144: {  	v5 =	vadd.f32 v6, v5;
	v2 =	vadd.f32 v3, v2;
	v3 =	vand.u32 $0xFFFF0000, v4  }
0x145: {  	v4 =	vshll.u32 v4, $0x10  }
0x146: {  	v4 =	vadd.f32 v4, v5;
	v2 =	vadd.f32 v3, v2;
	_ =	sdelay $0x1  }
0x147: {  	v3 =	vmax.f32 v4, $0.0e+00;
	v2 =	vmax.f32 v2, $0.0e+00  }
0x148: {  	[tilespmem:s16+$0xFFFFFFC0] =	vst v3  }
0x149: {  	[tilespmem:s16+$0xFFFFFFD0] =	vst v2  }
0x14a: {  	v2 =	vld [tilespmem:s15+$0xD30]  }
0x14b: {  	v3 =	vld [tilespmem:s15+$0x2130];
	_ =	sdelay $0x1  }
0x14c: {  	v4 =	vld [tilespmem:s15+$0x3530];
	_ =	sdelay $0x1  }
0x14d: {  	v5 =	vshll.u32 v2, $0x10  }
0x14e: {  	v2 =	vand.u32 $0xFFFF0000, v2;
	v6 =	vshll.u32 v3, $0x10;
	v3 =	vand.u32 $0xFFFF0000, v3  }
0x14f: {  	v5 =	vadd.f32 v6, v5;
	v2 =	vadd.f32 v3, v2  }
0x150: {  	v3 =	vshll.u32 v4, $0x10;
	v4 =	vand.u32 $0xFFFF0000, v4  }
0x151: {  	v3 =	vadd.f32 v3, v5;
	v2 =	vadd.f32 v4, v2;
	_ =	sdelay $0x1  }
0x152: {  	v3 =	vmax.f32 v3, $0.0e+00;
	v2 =	vmax.f32 v2, $0.0e+00  }
0x153: {  	[tilespmem:s16+$0xFFFFFFE0] =	vst v3  }
0x154: {  	[tilespmem:s16+$0xFFFFFFF0] =	vst v2  }
0x155: {  	v2 =	vld [tilespmem:s15+$0xD40]  }
0x156: {  	v3 =	vld [tilespmem:s15+$0x2140]  }
0x157: {  	v4 =	vld [tilespmem:s15+$0x3540];
	_ =	sdelay $0x2  }
0x158: {  	v5 =	vshll.u32 v2, $0x10;
	v2 =	vand.u32 $0xFFFF0000, v2  }
0x159: {  	v6 =	vshll.u32 v3, $0x10;
	v3 =	vand.u32 $0xFFFF0000, v3  }
0x15a: {  	v5 =	vadd.f32 v6, v5;
	v2 =	vadd.f32 v3, v2  }
0x15b: {  	v3 =	vshll.u32 v4, $0x10;
	v4 =	vand.u32 $0xFFFF0000, v4  }
0x15c: {  	v3 =	vadd.f32 v3, v5;
	v2 =	vadd.f32 v4, v2  }
.Ltmp5:
0x15d: {  	(pc) =	sbr.rel @p0 .LBB2_10-.Ltmp5, $4  }
0x15e: {  	v3 =	vmax.f32 v3, $0.0e+00;
	v2 =	vmax.f32 v2, $0.0e+00  }
0x15f: {  	[tilespmem:s16+$0x0] =	vst v3  }
0x160: {  	[tilespmem:s16+$0x10] =	vst v2  }
0x161: {  	v2 =	vld [tilespmem:s15+$0xD50]  }
0x162: {  	v3 =	vld [tilespmem:s15+$0x2150];
	_ =	sdelay $0x1  }
0x163: {  	v4 =	vld [tilespmem:s15+$0x3550];
	_ =	sdelay $0x2  }
0x164: {  	v5 =	vshll.u32 v2, $0x10;
	v6 =	vshll.u32 v3, $0x10  }
0x165: {  	v2 =	vand.u32 $0xFFFF0000, v2;
	v3 =	vand.u32 $0xFFFF0000, v3;
	v5 =	vadd.f32 v6, v5  }
0x166: {  	v2 =	vadd.f32 v3, v2;
	v3 =	vshll.u32 v4, $0x10  }
0x167: {  	s5 =	smul.u32 $0xA0, s30;
	v4 =	vand.u32 $0xFFFF0000, v4;
	v3 =	vadd.f32 v3, v5  }
.Ltmp6:
0x168: {  	v2 =	vadd.f32 v4, v2;
	(pc) =	sbr.rel @p1 .LBB2_13-.Ltmp6, $4  }
0x169: {  	v3 =	vmax.f32 v3, $0.0e+00  }
0x16a: {  	s5 =	sshra.s32 s5, $0x2;
	v2 =	vmax.f32 v2, $0.0e+00;
	[tilespmem:s18+$0x20] =	vst v3  }
0x16b: {  	s5 =	sadd.s32 $0x190, s5;
	[tilespmem:s18+$0x30] =	vst v2  }
0x16c: {  	[spmem:s2] =	stream.indirect.scatter.add.f32 [tilespmem:s26], [sflag:$0x6], $0x90, s5, s13, $0xb8;
	[tilespmem:$0x1CBB0] =	vst v63  }
0x16d: {  	s5 =	smul.u32 $0x50, s14  }
.Ltmp7:
0x16e: {  	_ = 	snop;
	(pc) =	sbr.rel .LBB2_7-.Ltmp7, $4  }
0x16f: {  	s6 =	sadd.s32 $0x78, s5  }
0x170: {  	[tilespmem:s17], [sflag:$0x2] =	stream.indirect.gather [hbm4b:s1+s13], $0x40, s6, s13, $0xb8;
	[tilespmem:$0x1CBB0] =	vst v63  }
0x171: {  	s14 =	sadd.s32 $0x1, s14;
	s5 =	sadd.s32 $0x208, s5  }
0x172: {  	[tilespmem:s19], [sflag:$0x2] =	stream.indirect.gather [hbm4b:s8+s13], $0x40, s5, s13, $0xb8;
	[tilespmem:$0x1CBB0] =	vst v63  }
.LBB2_14:
0x173: {  	s5 =	simm.s32 $0x5  }
0x174: {  	_ =	swait.ge [sflag:s5], $0x1680  }
0x175: {  	[sflag:s5] =	ssyncset.done $0x0  }
0x176: {  	s29 =	simm.s32 $0x6;
	[sflag:s5] =	ssyncadd.s32 $0xFFFFE980  }
0x177: {  	_ =	swait.ge [sflag:s29], $0x1680  }
0x178: {  	[sflag:s29] =	ssyncset.done $0x0  }
0x179: {  	[sflag:s29] =	ssyncadd.s32 $0xFFFFE980  }
0x17a: {  	[bflag:$0x0] =	sbarrier.arrive $0xFFFF  }
0x17b: {  	s15 =	rddreg [dreg:$0x9]  }
0x17c: {  	[tilespmem:s0], [sflag:$0x7] =	stream.linear.gather [spmem:s15], $0x1680, $0x38;
	[tilespmem:$0x1CBB0] =	vst v63  }
0x17d: {  	_ =	swait.ge [sflag:s4], $0x1680  }
0x17e: {  	[sflag:s4] =	ssyncset.done $0x0  }
0x17f: {  	s30 =	sadd.s32 $0x0, s23;
	[sflag:s4] =	ssyncadd.s32 $0xFFFFE980  }
0x180: {  	[hbm4b:s30+s3] =	stream.linear.scatter [tilespmem:s0], [sflag:$0x7], $0x1680, $0x38;
	[tilespmem:$0x1CBB0] =	vst v63  }
0x181: {  	s5 =	simm.s32 $0x2D0;
	_ =	swait.ge [sflag:s4], $0x1680  }
0x182: {  	s10 =	smov.u32 s15;
	[sflag:s4] =	ssyncset.done $0x0;
	s14 =	rddreg [dreg:$0x6]  }
.LBB2_15:
0x183: {  	p0 =	sne.s32 s5, $0x2760;
	[sflag:s4] =	ssyncadd.s32 $0xFFFFE980;
	s10 =	sadd.s32 $0x1680, s10  }
0x184: {  	[tilespmem:s0], [sflag:$0x7] =	stream.linear.gather [spmem:s10], $0x1680, $0x38;
	[tilespmem:$0x1CBB0] =	vst v63  }
0x185: {  	s6 =	smov.u32 s5;
	s5 =	sadd.s32 $0x2D0, s5;
	_ =	swait.ge [sflag:s4], $0x1680  }
.Ltmp8:
0x186: {  	[sflag:s4] =	ssyncset.done $0x0;
	(pc) =	sbr.rel @p0 .LBB2_15-.Ltmp8, $4  }
0x187: {  	s6 =	sadd.s32 s6, s23;
	[sflag:s4] =	ssyncadd.s32 $0xFFFFE980  }
0x188: {  	[hbm4b:s6+s3] =	stream.linear.scatter [tilespmem:s0], [sflag:$0x7], $0x1680, $0x38;
	[tilespmem:$0x1CBB0] =	vst v63  }
0x189: {  	_ =	swait.ge [sflag:s4], $0x1680  }
0x18a: {  	[sflag:s4] =	ssyncset.done $0x0  }
0x18b: {  	[sflag:s4] =	ssyncadd.s32 $0xFFFFE980  }
0x18c: {  	[tilespmem:s0], [sflag:$0x7] =	stream.linear.gather [spmem:s14], $0xE10, $0x38;
	[tilespmem:$0x1CBB0] =	vst v63  }
0x18d: {  	_ =	swait.ge [sflag:s4], $0xE10  }
0x18e: {  	[sflag:s4] =	ssyncset.done $0x0  }
0x18f: {  	s5 =	rddreg [dreg:$0x12];
	[sflag:s4] =	ssyncadd.s32 $0xFFFFF1F0  }
0x190: {  	[hbm4b:s5+s3] =	stream.linear.scatter [tilespmem:s0], [sflag:$0x7], $0xE10, $0x38;
	[tilespmem:$0x1CBB0] =	vst v63  }
0x191: {  	_ =	swait.ge [sflag:s4], $0xE10  }
0x192: {  	s6 =	rddreg [dreg:$0x19]  }
0x193: {  	s30 =	rddreg [dreg:$0x8];
	s6 =	sadd.s32 $0x1, s6  }
0x194: {  	p0 =	sne.s32 s6, s30  }
.Ltmp9:
0x195: {  	_ = 	snop;
	(pc) =	sbr.rel @p0 .LBB2_1-.Ltmp9, $3  }
0x196: {  	_ =	sdelay $0x1  }
0x197: {  	[sflag:s4] =	ssyncset.done $0x0  }
0x198: {  	[sflag:s4] =	ssyncadd.s32 $0xFFFFF1F0  }
0x199: {  	_ =	sfence.sel $0x180000  }
0x19a: {  	[bflag:$0x0] =	sbarrier.arrive $0xFFFF  }
0x19b: {  	_ =	strace $0x9000004A  }
0x19c: {  	s0 =	stileid.u32;
	[bflag:$0x2] =	sbarrier.arrive $0xFFFF  }
0x19d: {  	p0 =	sne.s32 s0, $0x0;
	s0 =	rddreg [dreg:$0x3]  }
0x19e: {  	s0 =	sadd.s32 @!p0 $0x100000, s0  }
0x19f: {  	[sflag:s0] =	ssyncadd.tile.s32 @!p0 $0x1;
	_ =	shalt  }
.Lfunc_end2:
_tile_overlayer_lowered:
.L_overlay_start_2:
0x1a0: {  	(tag) =	ssettag $0x2  }
0x1a1: {  	s0 =	rddreg [dreg:$0x0];
	s2 =	stileid.u32  }
0x1a2: {  	s1 =	rddreg [dreg:$0x1];
	p0 =	sne.s32 s2, $0x0  }
0x1a3: {  	s3 =	rddreg [dreg:$0x2];
	[bflag:$0x3] =	sbarrier.arrive $0xFFFF;
	s2 =	simm.s32 @!p0 $0x1C07  }
0x1a4: {  	[timem:s3], [sflag:s2] =	dma.local @!p0 [hbm:s0], s1  }
0x1a5: {  	s0 =	simm.s32 @!p0 $0x7  }
0x1a6: {  	_ =	swait.ge @!p0 [sflag:s0], s1  }
0x1a7: {  	s1 =	ssub.s32 @!p0 $0x0, s1;
	[sflag:s0] =	ssyncset.done @!p0 $0x0  }
0x1a8: {  	[sflag:s0] =	ssyncadd.s32 @!p0 s1  }
0x1a9: {  	[bflag:$0x3] =	sbarrier.arrive $0xFFFF  }
0x1aa: {  	_ =	shalt  }

// kernel: sparse-core-data-format-call.cloned.1.call-start
scs
called_computation_lowered:
.L_overlay_start_0:
0x0: {  	s1 =	sld [smem:$0x3FD9]  }
0x1: {  	s2 =	sld [smem:$0x3FFE];
	_ =	sdelay $0x1  }
0x2: {  	s3 =	srdreg.scid  }
0x3: {  	s0 =	sand.u32 $0x1, s3  }
0x4: {  	s17 =	sshll.u32 s0, $0xA;
	s1 =	sadd.s32 s2, s1  }
0x5: {  	s1 =	sadd.s32 s1, s17  }
0x6: {  	[smem:$0x3FBD] =	sst s1  }
0x7: {  	_ = 	snop  }
0x8: {  	(tm) =	ssettm $0x1  }
0x9: {  	s18 =	sld [smem:$0x3FFB];
	_ =	sdelay $0x3  }
0xa: {  	_ =	strace s18  }
0xb: {  	s1 =	sld [smem:$0x3FFC];
	_ =	sdelay $0x3  }
0xc: {  	_ =	strace s1  }
0xd: {  	s1 =	sld [smem:$0x3FFD];
	_ =	sdelay $0x3  }
0xe: {  	_ =	strace s1  }
0xf: {  	_ =	strace $0x8FFFFFFF  }
0x10: {  	s19 =	sld [smem:$0x3FDB];
	_ =	sdelay $0x1  }
0x11: {  	s20 =	simm.s32 $_scs_section_size  }
0x12: {  	s4 =	simm.s32 $_size__tile_overlayer_lowered;
	s5 =	simm.s32 $_tile_overlayer_lowered  }
0x13: {  	s23 =	simm.s32 $0x1BFF;
	s22 =	sshll.u32 s5, $0x1;
	s1 =	sadd.s32 s20, s19  }
0x14: {  	s6 =	simm.s32 $0x0;
	s21 =	sshll.u32 s4, $0x1;
	s4 =	sadd.s32 s22, s1  }
0x15: {  	[timem:s6], [sflag:s23] =	dma.local [hbm:s4], s21  }
0x16: {  	_ =	swait.ge [sflag:s23], s21  }
0x17: {  	s2 =	ssub.s32 $0x0, s21;
	[sflag:s23] =	ssyncset.done $0x0  }
0x18: {  	[sflag:s23] =	ssyncadd.s32 s2;
	_ =	sdelay $0x1  }
0x19: {  	s24 =	simm.s32 $0x1B8B  }
0x1a: {  	_ =	swait.ge [sflag:s24], $0x1  }
0x1b: {  	[sflag:s24] =	ssyncset.done $0x0  }
0x1c: {  	s26 =	simm.s32 $0x1B8E;
	s25 =	sld [smem:$0x3FFE];
	[sflag:s24] =	ssyncadd.s32 $0xFFFFFFFF  }
0x1d: {  	s27 =	simm.s32 $execute0_lowered;
	[smem:$0x3FD2] =	sst s26  }
0x1e: {  	s4 =	sshll.u32 s27, $0x1;
	_ =	strace $0x80000046;
	[dreg:$0x1] =	wrdreg $0xFFFFFFFF  }
0x1f: {  	s28 =	simm.s32 $_size_execute0_lowered;
	s1 =	sadd.s32 s1, s4;
	[dreg:$0x0] =	wrdreg $0x0  }
0x20: {  	s4 =	sshll.u32 s28, $0x1;
	[dreg:$0x2] =	wrdreg s1  }
0x21: {  	[dreg:$0x3] =	wrdreg s4  }
0x22: {  	[dreg:$0x4] =	wrdreg $0xC0  }
0x23: {  	_ =	task [dreg:s6], $0x5FFFF  }
0x24: {  	[dreg:$0x1] =	wrdreg $0xFFFFFFFF  }
0x25: {  	[dreg:$0x0] =	wrdreg $0x60  }
0x26: {  	[dreg:$0x2] =	wrdreg s25  }
0x27: {  	[dreg:$0x3] =	wrdreg $0x9  }
0x28: {  	_ =	task.clear_ibuf [dreg:s6], $0x4FFFF;
	_ =	strace $0x90000046  }
0x29: {  	s29 =	simm.s32 $0x9;
	_ =	strace $0x80000048  }
0x2a: {  	_ =	swait.ge [sflag:s29], $0x1  }
0x2b: {  	[sflag:s29] =	ssyncadd.s32 $0xFFFFFFFF  }
0x2c: {  	_ =	strace $0x90000048  }
0x2d: {  	_ =	sfence  }
0x2e: {  	s30 =	sld [smem:$0x0];
	_ =	sdelay $0x2  }
0x2f: {  	s31 =	sshll.u32 s3, $0xD;
	s3 =	sshrl.u32 s3, $0x2  }
0x30: {  	s2 =	sand.u32 $0x4000, s31;
	s1 =	sadd.s32 s3, s30  }
0x31: {  	s0 =	sor.u32 s2, s0;
	s1 =	sshll.u32 s1, $0x11  }
0x32: {  	s0 =	sor.u32 s1, s0  }
0x33: {  	s0 =	sadd.s32 $0x8F2B, s0  }
0x34: {  	[sflag:s0] =	ssyncadd.remote.s32 $0x1  }
0x35: {  	_ =	sfence.sel $0xFFFF  }
0x36: {  	[dreg:$0x0] =	wrdreg $0xFFFFFFFF;
	(pc) =	sbr.abs _section_cstart, $3  }
0x37: {  	[dreg:$0x1] =	wrdreg $0xFFFFFFFF  }
0x38: {  	_ =	task.clear_ibuf [dreg:s6], $0x2FFFF;
	_ =	strace $0x9FFFFFFF  }
0x39: {  	(tm) =	ssettm $0x7FFFFFFF  }
tec
execute0_lowered:
.L_overlay_start_1:
0x0: {  	(tag) =	ssettag $0x1  }
0x1: {  	s0 =	srdreg.scid  }
0x2: {  	s1 =	sshll.u32 s0, $0x4  }
0x3: {  	s4 =	rddreg [dreg:$0x0];
	s0 =	stileid.u32;
	s1 =	sand.u32 $0x10, s1  }
0x4: {  	s7 =	simm.s32 $0x1;
	s8 =	simm.s32 $0x2;
	s1 =	sor.u32 s0, s1  }
0x5: {  	s9 =	simm.s32 $0x0;
	s12 =	simm.s32 $0x0;
	s2 =	sshll.u32 s1, $0x4  }
0x6: {  	s11 =	simm.s32 $0x0;
	s3 =	sadd.s32 $0x2C00, s4;
	s6 =	ssub.s32 $0x4E20, s2  }
.Ltmp0:
0x7: {  	s4 =	sadd.s32 $0x273C00, s4;
	s5 =	sand.u32 $0x1F0, s6;
	(pc) =	sbr.rel .LBB1_1-.Ltmp0, $4  }
0x8: {  	s1 =	rddreg [dreg:$0x1];
	_ =	strace $0x80000047;
	p0 =	sne.s32 s5, $0x0  }
0x9: {  	s6 =	sshrl.u32 s6, $0x9;
	s5 =	simm.s32 $0x1;
	s7 =	simm.s32 @!p0 $0x0  }
0xa: {  	s10 =	smov.u32 s2;
	[sflag:s5] =	ssyncpa.u1 $0x0;
	s6 =	sadd.s32 s7, s6  }
0xb: {  	[sflag:s8] =	ssyncpa.u1 $0x0;
	s8 =	simm.s32 $0x0;
	s7 =	sadd.s32 $0x1, s6  }
.LBB1_7:
0xc: {  	s14 =	sadd.s32 $0x200, s10  }
0xd: {  	p1 =	sgt.s32 s14, $0x4E1F  }
0xe: {  	s14 =	smov.u32 @p1 s2;
	p1 =	sne.s32 s11, s7  }
.Ltmp1:
0xf: {  	p0 =	slt.u32 s11, $0x2;
	(pc) =	sbr.rel @!p1 .LBB1_8-.Ltmp1, $4  }
0x10: {  	s13 =	simm.s32 @!p0 $0x2  }
0x11: {  	s15 =	sadd.s32 $0x1, s11;
	_ =	swait.ge @!p0 [sflag:s13], $0x4000  }
0x12: {  	s12 =	smov.u32 s10;
	s9 =	sadd.s32 $0x8000, s9;
	[sflag:s13] =	ssyncset.done @!p0 $0x0  }
0x13: {  	s11 =	smov.u32 s15;
	s10 =	smov.u32 s14;
	[sflag:s13] =	ssyncadd.s32 @!p0 $0xFFFFC000  }
.LBB1_1:
0x14: {  	p0 =	sge.u32 s11, s6  }
0x15: {  	s13 =	sxor.u32 @!p0 $0xFFFFFFFF, s11  }
0x16: {  	s31 =	sadd.s32 $0xFFFFFFFF, s11;
	s14 =	sshll.u32 @!p0 s10, $0x7;
	s13 =	sshll.u32 @!p0 s13, $0xE  }
0x17: {  	s15 =	simm.s32 @!p0 $0x0;
	s14 =	sadd.s32 @!p0 s3, s14;
	s13 =	sand.u32 @!p0 $0x4000, s13  }
0x18: {  	[tilespmem:s13], [sflag:$0x1] =	stream.linear.gather @!p0 [hbm4b:s14+s15], $0x4000, $0x38;
	[tilespmem:$0x10000] =	vst v63  }
0x19: {  	p0 =	sge.u32 s31, s6  }
.Ltmp2:
0x1a: {  	_ = 	snop;
	(pc) =	sbr.rel @p0 .LBB1_7-.Ltmp2, $1  }
0x1b: {  	_ =	sdelay $0x3  }
0x1c: {  	s13 =	sshrl.u32 s9, $0x1;
	_ =	swait.ge [sflag:s5], $0x4000  }
0x1d: {  	s15 =	sshll.u32 s11, $0xE;
	s16 =	simm.s32 $0x0;
	s14 =	sand.u32 $0x4000, s13  }
0x1e: {  	[sflag:s5] =	ssyncset.done $0x0;
	s15 =	sand.u32 $0x4000, s15;
	s13 =	sor.u32 $0x200, s14  }
0x1f: {  	s14 =	sor.u32 $0x8080, s14;
	[sflag:s5] =	ssyncadd.s32 $0xFFFFC000;
	s15 =	sor.u32 $0x8000, s15  }
.LBB1_3:
0x20: {  	v0 =	vld [tilespmem:s13+$0xFFFFFE70]  }
0x21: {  	v1 =	vld [tilespmem:s13+$0x70]  }
0x22: {  	v2 =	vld [tilespmem:s13+$0x0]  }
0x23: {  	v3 =	vld [tilespmem:s13+$0xFFFFFE10]  }
0x24: {  	v4 =	vld [tilespmem:s13+$0x10]  }
0x25: {  	v5 =	vld [tilespmem:s13+$0xFFFFFE20]  }
0x26: {  	v7 =	vld [tilespmem:s13+$0x20]  }
0x27: {  	v11 =	vld [tilespmem:s13+$0x30];
	v6 =	vunpack.i.l.s16.s32 v0;
	v8 =	vunpack.i.u.s16.s32 v0;
	v9 =	vunpack.i.u.s16.s32 v1  }
0x28: {  	v10 =	vunpack.i.l.s16.s32 v1;
	v0 =	vunpack.i.u.s16.s32 v2;
	v1 =	vunpack.i.l.s16.s32 v2;
	v2 =	vld [tilespmem:s13+$0xFFFFFE30]  }
0x29: {  	v8 =	vpack.i.b32.b16 v9, v8;
	v9 =	vunpack.i.u.s16.s32 v3;
	v3 =	vunpack.i.l.s16.s32 v3  }
0x2a: {  	v12 =	vld [tilespmem:s13+$0xFFFFFE40];
	v6 =	vpack.i.b32.b16 v10, v6;
	[tilespmem:s14+$0x70] =	vst v8;
	v8 =	vunpack.i.u.s16.s32 v4;
	v4 =	vunpack.i.l.s16.s32 v4  }
0x2b: {  	v13 =	vld [tilespmem:s13+$0x40];
	v10 =	vunpack.i.u.s16.s32 v5;
	v5 =	vunpack.i.l.s16.s32 v5;
	[tilespmem:s14+$0xFFFFFFF0] =	vst v6;
	v3 =	vpack.i.b32.b16 v4, v3  }
0x2c: {  	v6 =	vunpack.i.l.s16.s32 v7;
	v4 =	vld [tilespmem:s13+$0xFFFFFE50];
	[tilespmem:s14+$0xFFFFFF90] =	vst v3;
	v3 =	vpack.i.b32.b16 v8, v9;
	v8 =	vunpack.i.u.s16.s32 v7  }
0x2d: {  	v7 =	vunpack.i.l.s16.s32 v11;
	[tilespmem:s14+$0x10] =	vst v3;
	v3 =	vpack.i.b32.b16 v6, v5;
	v9 =	vunpack.i.u.s16.s32 v2;
	v6 =	vld [tilespmem:s13+$0x50]  }
0x2e: {  	v5 =	vunpack.i.l.s16.s32 v2;
	v2 =	vld [tilespmem:s13+$0xFFFFFE60];
	[tilespmem:s14+$0xFFFFFFA0] =	vst v3;
	v3 =	vpack.i.b32.b16 v8, v10;
	v10 =	vunpack.i.u.s16.s32 v11  }
0x2f: {  	s19 =	simm.s32 $0x0;
	v11 =	vpack.i.b32.b16 v7, v5;
	v7 =	vunpack.i.u.s16.s32 v12;
	v8 =	vunpack.i.l.s16.s32 v12;
	[tilespmem:s14+$0x20] =	vst v3;
	v3 =	vld [tilespmem:s13+$0x60]  }
0x30: {  	s20 =	sadd.s32 $0x80, s13;
	s18 =	smov.u32 s14;
	s17 =	smov.u32 s14;
	v5 =	vld [tilespmem:s13+$0xFFFFFE00];
	[tilespmem:s14+$0xFFFFFFB0] =	vst v11;
	v10 =	vpack.i.b32.b16 v10, v9;
	v9 =	vunpack.i.u.s16.s32 v13;
	v11 =	vunpack.i.l.s16.s32 v13  }
.LBB1_4:
0x31: {  	v12 =	vld [tilespmem:s20+$0xFFFFFE70];
	[tilespmem:s18+$0x30] =	vst v10;
	v8 =	vpack.i.b32.b16 v11, v8;
	v10 =	vunpack.i.u.s16.s32 v4;
	v4 =	vunpack.i.l.s16.s32 v4  }
0x32: {  	s19 =	sadd.s32 $0x2, s19;
	v7 =	vpack.i.b32.b16 v9, v7;
	v11 =	vld [tilespmem:s20+$0x70];
	[tilespmem:s18+$0xFFFFFFC0] =	vst v8;
	v8 =	vunpack.i.u.s16.s32 v6;
	v6 =	vunpack.i.l.s16.s32 v6  }
0x33: {  	p0 =	slt.u32 s19, $0x6;
	v9 =	vld [tilespmem:s20+$0x0];
	[tilespmem:s18+$0x40] =	vst v7;
	v4 =	vpack.i.b32.b16 v6, v4;
	v6 =	vunpack.i.u.s16.s32 v2;
	v2 =	vunpack.i.l.s16.s32 v2  }
0x34: {  	v7 =	vld [tilespmem:s20+$0xFFFFFE10];
	[tilespmem:s18+$0xFFFFFFD0] =	vst v4;
	v4 =	vpack.i.b32.b16 v8, v10;
	v8 =	vunpack.i.u.s16.s32 v3;
	v3 =	vunpack.i.l.s16.s32 v3  }
0x35: {  	v10 =	vld [tilespmem:s20+$0x10];
	v13 =	vunpack.i.u.s16.s32 v5;
	v5 =	vunpack.i.l.s16.s32 v5;
	[tilespmem:s18+$0x50] =	vst v4;
	v2 =	vpack.i.b32.b16 v3, v2  }
0x36: {  	v3 =	vld [tilespmem:s20+$0xFFFFFE20];
	v4 =	vunpack.i.l.s16.s32 v12;
	v1 =	vpack.i.b32.b16 v1, v5;
	v5 =	vpack.i.b32.b16 v0, v13;
	[tilespmem:s18+$0xFFFFFFE0] =	vst v2  }
0x37: {  	v12 =	vunpack.i.u.s16.s32 v12;
	v2 =	vld [tilespmem:s20+$0x20];
	v13 =	vunpack.i.u.s16.s32 v11;
	v11 =	vunpack.i.l.s16.s32 v11;
	[tilespmem:s18+$0xFFFFFF80] =	vst v1  }
0x38: {  	s18 =	sadd.s32 $0x100, s18;
	v0 =	vunpack.i.u.s16.s32 v9;
	v1 =	vunpack.i.l.s16.s32 v9;
	v9 =	vld [tilespmem:s20+$0xFFFFFE30];
	v12 =	vpack.i.b32.b16 v13, v12;
	[tilespmem:s17+$0x0] =	vst v5  }
0x39: {  	v6 =	vpack.i.b32.b16 v8, v6;
	v5 =	vunpack.i.u.s16.s32 v7;
	v7 =	vunpack.i.l.s16.s32 v7;
	v13 =	vld [tilespmem:s20+$0x30];
	[tilespmem:s18+$0x70] =	vst v12  }
0x3a: {  	v4 =	vpack.i.b32.b16 v11, v4;
	v8 =	vunpack.i.u.s16.s32 v10;
	v10 =	vunpack.i.l.s16.s32 v10;
	v12 =	vld [tilespmem:s20+$0xFFFFFE40];
	[tilespmem:s17+$0x60] =	vst v6;
	s17 =	smov.u32 s18  }
0x3b: {  	v6 =	vpack.i.b32.b16 v10, v7;
	v7 =	vunpack.i.u.s16.s32 v3;
	v3 =	vunpack.i.l.s16.s32 v3;
	v11 =	vld [tilespmem:s20+$0x40];
	[tilespmem:s18+$0xFFFFFFF0] =	vst v4  }
.Ltmp3:
0x3c: {  	v5 =	vpack.i.b32.b16 v8, v5;
	[tilespmem:s18+$0xFFFFFF90] =	vst v6;
	v8 =	vunpack.i.u.s16.s32 v2;
	v2 =	vunpack.i.l.s16.s32 v2;
	v4 =	vld [tilespmem:s20+$0xFFFFFE50];
	(pc) =	sbr.rel @p0 .LBB1_4-.Ltmp3, $4  }
0x3d: {  	[tilespmem:s18+$0x10] =	vst v5;
	v2 =	vpack.i.b32.b16 v2, v3;
	v10 =	vunpack.i.u.s16.s32 v9;
	v3 =	vunpack.i.l.s16.s32 v9;
	v6 =	vld [tilespmem:s20+$0x50]  }
0x3e: {  	v5 =	vpack.i.b32.b16 v8, v7;
	[tilespmem:s18+$0xFFFFFFA0] =	vst v2;
	v9 =	vunpack.i.u.s16.s32 v13;
	v7 =	vunpack.i.l.s16.s32 v13;
	v2 =	vld [tilespmem:s20+$0xFFFFFE60]  }
0x3f: {  	[tilespmem:s18+$0x20] =	vst v5;
	v13 =	vpack.i.b32.b16 v7, v3;
	v7 =	vunpack.i.u.s16.s32 v12;
	v8 =	vunpack.i.l.s16.s32 v12;
	v3 =	vld [tilespmem:s20+$0x60]  }
0x40: {  	v10 =	vpack.i.b32.b16 v9, v10;
	v5 =	vld [tilespmem:s20+$0xFFFFFE00];
	[tilespmem:s18+$0xFFFFFFB0] =	vst v13;
	v9 =	vunpack.i.u.s16.s32 v11;
	v11 =	vunpack.i.l.s16.s32 v11;
	s20 =	sadd.s32 $0x80, s20  }
0x41: {  	[tilespmem:s18+$0x30] =	vst v10;
	v8 =	vpack.i.b32.b16 v11, v8  }
0x42: {  	v51 =	vunpack.i.l.s16.s32 v4;
	v7 =	vpack.i.b32.b16 v9, v7;
	[tilespmem:s18+$0xFFFFFFC0] =	vst v8;
	v52 =	vunpack.i.l.s16.s32 v6  }
0x43: {  	v53 =	vunpack.i.u.s16.s32 v4;
	s16 =	sadd.s32 $0x1, s16;
	v54 =	vunpack.i.u.s16.s32 v6;
	[tilespmem:s18+$0x40] =	vst v7;
	v55 =	vpack.i.b32.b16 v52, v51  }
0x44: {  	p0 =	sne.s32 s16, $0x10;
	v56 =	vunpack.i.l.s16.s32 v2;
	v4 =	vpack.i.b32.b16 v54, v53;
	[tilespmem:s18+$0xFFFFFFD0] =	vst v55;
	v57 =	vunpack.i.l.s16.s32 v3  }
.Ltmp4:
0x45: {  	[tilespmem:s18+$0x50] =	vst v4;
	v58 =	vunpack.i.l.s16.s32 v5;
	v59 =	vpack.i.b32.b16 v57, v56;
	(pc) =	sbr.rel @p0 .LBB1_3-.Ltmp4, $4  }
0x46: {  	v61 =	vunpack.i.u.s16.s32 v2;
	v62 =	vunpack.i.u.s16.s32 v3;
	v1 =	vpack.i.b32.b16 v1, v58;
	[tilespmem:s18+$0xFFFFFFE0] =	vst v59  }
0x47: {  	v60 =	vunpack.i.u.s16.s32 v5;
	v63 =	vpack.i.b32.b16 v62, v61;
	[tilespmem:s18+$0xFFFFFF80] =	vst v1  }
0x48: {  	v0 =	vpack.i.b32.b16 v0, v60;
	[tilespmem:s17+$0x60] =	vst v63  }
0x49: {  	s13 =	sadd.s32 $0x400, s13;
	s14 =	sadd.s32 $0x400, s14;
	[tilespmem:s17+$0x0] =	vst v0  }
.Ltmp5:
0x4a: {  	(pc) =	sbr.rel .LBB1_7-.Ltmp5, $4  }
0x4b: {  	_ = 	snop  }
0x4c: {  	s12 =	sshll.u32 s12, $0x7  }
0x4d: {  	s12 =	sadd.s32 s4, s12  }
0x4e: {  	[hbm4b:s12+s8] =	stream.linear.scatter [tilespmem:s15], [sflag:$0x2], $0x4000, $0x38;
	[tilespmem:$0x10000] =	vst v63  }
.LBB1_8:
0x4f: {  	_ =	sfence.sel $0x180000  }
0x50: {  	s2 =	simm.s32 $0x1;
	[bflag:$0x0] =	sbarrier.arrive $0xFFFF  }
0x51: {  	s31 =	simm.s32 $0x2;
	[sflag:s2] =	ssyncpa.u1 $0x1  }
0x52: {  	[sflag:s31] =	ssyncpa.u1 $0x1  }
0x53: {  	p0 =	sne.s32 s0, $0x0;
	_ =	strace $0x90000047  }
0x54: {  	s0 =	sadd.s32 @!p0 $0x100000, s1;
	[bflag:$0x2] =	sbarrier.arrive $0xFFFF  }
0x55: {  	[sflag:s0] =	ssyncadd.tile.s32 @!p0 $0x1;
	_ =	shalt  }
.Lfunc_end1:
_tile_overlayer_lowered:
.L_overlay_start_2:
0x56: {  	(tag) =	ssettag $0x2  }
0x57: {  	s0 =	rddreg [dreg:$0x0];
	s2 =	stileid.u32  }
0x58: {  	s1 =	rddreg [dreg:$0x1];
	p0 =	sne.s32 s2, $0x0  }
0x59: {  	s3 =	rddreg [dreg:$0x2];
	[bflag:$0x3] =	sbarrier.arrive $0xFFFF;
	s2 =	simm.s32 @!p0 $0x1C01  }
0x5a: {  	[timem:s3], [sflag:s2] =	dma.local @!p0 [hbm:s0], s1  }
0x5b: {  	s0 =	simm.s32 @!p0 $0x1  }
0x5c: {  	_ =	swait.ge @!p0 [sflag:s0], s1  }
0x5d: {  	s1 =	ssub.s32 @!p0 $0x0, s1;
	[sflag:s0] =	ssyncset.done @!p0 $0x0  }
0x5e: {  	[sflag:s0] =	ssyncadd.s32 @!p0 s1  }
0x5f: {  	[bflag:$0x3] =	sbarrier.arrive $0xFFFF  }
0x60: {  	_ =	shalt  }

</sc_bundles>
